<compile_context>
chip_gen: v7x
topology: tpu7x:2x2x1
jax: 0.10.2.dev20260603
libtpu: 0.0.44.dev20260713+nightly
codegen_flags: <defaults>
</compile_context>

<pallas_src>
import functools

import jax
import jax.numpy as jnp
from jax import lax
from jax.experimental import pallas as pl
from jax.experimental.pallas import tpu as pltpu
from jax.experimental.pallas import tpu_sc as plsc

T_STEPS = 16
EMBED_DIM = 16
NUM_EMBED = 8192
COMMIT = 0.25
TAU_LIF = 2.0
V_TH = 1.0
TAU_S = 2.0
MEM_DECAY = 0.8

B_SZ, C_SZ, H_SZ, W_SZ = 32, 16, 32, 32
HW = H_SZ * W_SZ
N_TOK = B_SZ * HW
CODE_CHUNK = 512
N_CHUNK = NUM_EMBED // CODE_CHUNK


def _vq_kernel(x_ref, cf_ref, par_ref, e_ref, idx_ref, mo_ref):
    acc1 = jnp.zeros((C_SZ, HW), jnp.float32)
    acc2 = jnp.zeros((C_SZ, HW), jnp.float32)
    for t in range(T_STEPS):
        xt = x_ref[t, 0].reshape(C_SZ, HW)
        xb = xt.astype(jnp.bfloat16).astype(jnp.float32)
        acc1 = acc1 + cf_ref[0, t] * xb
        acc2 = acc2 + xt
    one_m_alpha = par_ref[0, 0]
    alpha = par_ref[0, 1]
    mo = one_m_alpha * acc1 + (alpha * acc2) / T_STEPS

    mo_ref[...] = mo
    mob = mo.astype(jnp.bfloat16).astype(jnp.float32)

    fsq = jnp.sum(mo * mo, axis=0, keepdims=True)

    best_m = jnp.full((1, HW), jnp.inf, dtype=jnp.float32)
    best_i = jnp.zeros((1, HW), dtype=jnp.int32)
    for c in range(N_CHUNK):
        e_blk = e_ref[pl.ds(c * CODE_CHUNK, CODE_CHUNK), :]
        e_nrm = jnp.sum(e_blk * e_blk, axis=1, keepdims=True)
        scores = (fsq + e_nrm) - 2.0 * jnp.dot(
            e_blk.astype(jnp.bfloat16), mob.astype(jnp.bfloat16),
            preferred_element_type=jnp.float32)
        m = jnp.min(scores, axis=0, keepdims=True)
        row = lax.broadcasted_iota(jnp.int32, scores.shape, 0)
        a = jnp.min(jnp.where(scores == m, row, NUM_EMBED),
                    axis=0, keepdims=True) + c * CODE_CHUNK
        upd = m < best_m
        best_i = jnp.where(upd, a, best_i)
        best_m = jnp.where(upd, m, best_m)

    idx_ref[0, 0, :] = best_i[0, :]


def _run_vq(x, cf_row, par_row, embeddings):
    return pl.pallas_call(
        _vq_kernel,
        grid=(B_SZ,),
        in_specs=[
            pl.BlockSpec((T_STEPS, 1, C_SZ, H_SZ, W_SZ),
                         lambda b: (0, b, 0, 0, 0)),
            pl.BlockSpec((1, T_STEPS), lambda b: (0, 0)),
            pl.BlockSpec((1, T_STEPS), lambda b: (0, 0)),
            pl.BlockSpec((NUM_EMBED, EMBED_DIM), lambda b: (0, 0)),
        ],
        out_specs=[
            pl.BlockSpec((1, 1, HW), lambda b: (b, 0, 0)),
            pl.BlockSpec((C_SZ, HW), lambda b: (0, b)),
        ],
        out_shape=[
            jax.ShapeDtypeStruct((B_SZ, 1, HW), jnp.int32),
            jax.ShapeDtypeStruct((C_SZ, N_TOK), jnp.float32),
        ],
    )(x, cf_row, par_row, embeddings)


def _make_sc_gather():
    info = plsc.get_sparse_core_info()
    nc, ns = info.num_cores, info.num_subcores
    nw = nc * ns
    b_per_w = N_TOK // nw
    mesh = plsc.VectorSubcoreMesh(core_axis_name="c", subcore_axis_name="s")

    @functools.partial(
        pl.kernel, mesh=mesh,
        compiler_params=pltpu.CompilerParams(use_tc_tiling_on_sc=False),
        out_type=jax.ShapeDtypeStruct((N_TOK, EMBED_DIM), jnp.float32),
        scratch_types=[
            pltpu.VMEM((b_per_w,), jnp.int32),
            pltpu.VMEM((b_per_w, EMBED_DIM), jnp.float32),
            pltpu.SemaphoreType.DMA,
        ],
    )
    def gather_k(table_hbm, idx_hbm, out_hbm, idx_v, rows_v, sem):
        wid = lax.axis_index("s") * nc + lax.axis_index("c")
        base = wid * b_per_w
        pltpu.sync_copy(idx_hbm.at[pl.ds(base, b_per_w)], idx_v)
        pltpu.async_copy(table_hbm.at[idx_v], rows_v, sem).wait()
        pltpu.sync_copy(rows_v, out_hbm.at[pl.ds(base, b_per_w)])

    return gather_k


def _stats_kernel(q_ref, mo_ref, wm_ref, sum_ref, ssq_ref):
    b = pl.program_id(0)
    mo = mo_ref[...]
    qst = mo + (q_ref[...].T - mo)
    y = jnp.dot(wm_ref[...].astype(jnp.bfloat16),
                qst.astype(jnp.bfloat16),
                preferred_element_type=jnp.float32)

    @pl.when(b == 0)
    def _():
        sum_ref[...] = jnp.zeros((1, C_SZ), jnp.float32)
        ssq_ref[...] = jnp.zeros((1, C_SZ), jnp.float32)

    sum_ref[...] += jnp.sum(y, axis=1, keepdims=True).reshape(1, C_SZ)
    ssq_ref[...] += jnp.sum(y * y, axis=1, keepdims=True).reshape(1, C_SZ)


def _run_stats(q, mo, wm):
    return pl.pallas_call(
        _stats_kernel,
        grid=(B_SZ,),
        in_specs=[
            pl.BlockSpec((HW, EMBED_DIM), lambda b: (b, 0)),
            pl.BlockSpec((C_SZ, HW), lambda b: (0, b)),
            pl.BlockSpec((C_SZ, C_SZ), lambda b: (0, 0)),
        ],
        out_specs=[
            pl.BlockSpec((1, C_SZ), lambda b: (0, 0)),
            pl.BlockSpec((1, C_SZ), lambda b: (0, 0)),
        ],
        out_shape=[
            jax.ShapeDtypeStruct((1, C_SZ), jnp.float32),
            jax.ShapeDtypeStruct((1, C_SZ), jnp.float32),
        ],
    )(q, mo, wm)


def _post_kernel(q_ref, mo_ref, x_ref, wm_ref, cb_ref, gm_ref, bt_ref,
                 sum_ref, ssq_ref, spk_ref, l1_ref, l2_ref):
    b = pl.program_id(0)
    n = jnp.float32(N_TOK)

    qt = q_ref[...].T
    mo = mo_ref[...]
    l1 = jnp.sum((qt - mo) ** 2)
    qst = mo + (qt - mo)

    y = jnp.dot(wm_ref[...].astype(jnp.bfloat16), qst.astype(jnp.bfloat16),
                preferred_element_type=jnp.float32)
    y = y + cb_ref[0, :][:, None]

    mean = sum_ref[0, :] / n + cb_ref[0, :]
    var = ssq_ref[0, :] / n - (sum_ref[0, :] / n) ** 2
    yn = ((y - mean[:, None]) / jnp.sqrt(var + 1e-5)[:, None]
          * gm_ref[0, :][:, None] + bt_ref[0, :][:, None])

    v = jnp.zeros((C_SZ, HW), jnp.float32)
    syn = jnp.zeros((C_SZ, HW), jnp.float32)
    l2 = jnp.float32(0.0)
    for t in range(T_STEPS):
        v = v + (yn - v) / TAU_LIF
        s = (v >= V_TH).astype(jnp.float32)
        v = v * (1.0 - s)
        spk_ref[t, 0] = s.reshape(C_SZ, H_SZ, W_SZ)
        d = s - x_ref[t, 0].reshape(C_SZ, HW)
        syn = syn + (d - syn) / TAU_S
        l2 = l2 + jnp.sum(syn * syn)

    @pl.when(b == 0)
    def _():
        l1_ref[...] = jnp.zeros((1, 1), jnp.float32)
        l2_ref[...] = jnp.zeros((1, 1), jnp.float32)

    l1_ref[...] += l1.reshape(1, 1)
    l2_ref[...] += l2.reshape(1, 1)


def _run_post(q, mo, x, wm, cb, gm, bt, sums, ssq):
    return pl.pallas_call(
        _post_kernel,
        grid=(B_SZ,),
        in_specs=[
            pl.BlockSpec((HW, EMBED_DIM), lambda b: (b, 0)),
            pl.BlockSpec((C_SZ, HW), lambda b: (0, b)),
            pl.BlockSpec((T_STEPS, 1, C_SZ, H_SZ, W_SZ),
                         lambda b: (0, b, 0, 0, 0)),
            pl.BlockSpec((C_SZ, C_SZ), lambda b: (0, 0)),
            pl.BlockSpec((1, C_SZ), lambda b: (0, 0)),
            pl.BlockSpec((1, C_SZ), lambda b: (0, 0)),
            pl.BlockSpec((1, C_SZ), lambda b: (0, 0)),
            pl.BlockSpec((1, C_SZ), lambda b: (0, 0)),
            pl.BlockSpec((1, C_SZ), lambda b: (0, 0)),
        ],
        out_specs=[
            pl.BlockSpec((T_STEPS, 1, C_SZ, H_SZ, W_SZ),
                         lambda b: (0, b, 0, 0, 0)),
            pl.BlockSpec((1, 1), lambda b: (0, 0)),
            pl.BlockSpec((1, 1), lambda b: (0, 0)),
        ],
        out_shape=[
            jax.ShapeDtypeStruct((T_STEPS, B_SZ, C_SZ, H_SZ, W_SZ),
                                 jnp.float32),
            jax.ShapeDtypeStruct((1, 1), jnp.float32),
            jax.ShapeDtypeStruct((1, 1), jnp.float32),
        ],
    )(q, mo, x, wm, cb, gm, bt, sums, ssq)


def kernel(x, embeddings, alpha, conv_w, conv_b, bn_gamma, bn_beta):
    t = jnp.arange(T_STEPS - 1, -1, -1, dtype=jnp.float32)
    cf_row = (jnp.power(MEM_DECAY, t).astype(jnp.bfloat16)
              .astype(jnp.float32).reshape(1, T_STEPS))
    par_row = jnp.zeros((T_STEPS,), jnp.float32)
    par_row = par_row.at[0].set(1.0 - alpha).at[1].set(alpha)
    par_row = par_row.reshape(1, T_STEPS)

    idx2d, mo = _run_vq(x, cf_row, par_row, embeddings)

    q = _make_sc_gather()(embeddings, idx2d.reshape(N_TOK))

    wm = conv_w[:, :, 0, 0]
    cb = conv_b.reshape(1, C_SZ)
    gm = bn_gamma.reshape(1, C_SZ)
    bt = bn_beta.reshape(1, C_SZ)
    sums, ssq = _run_stats(q, mo, wm)
    q_spk, l1sum, l2sum = _run_post(q, mo, x, wm, cb, gm, bt, sums, ssq)

    m1 = l1sum[0, 0] / (N_TOK * EMBED_DIM)
    m2 = l2sum[0, 0] / (T_STEPS * B_SZ * C_SZ * H_SZ * W_SZ)
    loss_1 = m1 + COMMIT * m1
    loss_2 = m2 + COMMIT * m2

    return (q_spk, loss_1 + loss_2, jnp.float32(0.0))

# --- scband reference (transcript-rebuilt; emitter-appended) ---
"""Pipeline reference for scband-vector-quantizer-uni-2181843386754 (READ-ONLY COPY).

The authoritative reference and input builder live on the scoring server;
editing this copy changes nothing except your own understanding.
"""

import jax, jax.numpy as jnp
import numpy as np

T_STEPS = 16
EMBED_DIM = 16
NUM_EMBED = 8192
COMMIT = 0.25
TAU_LIF = 2.0
V_TH = 1.0
TAU_S = 2.0
MEM_DECAY = 0.8


def setup_inputs(seed: int = 0) -> dict:
    key = jax.random.key(seed)
    ks = jax.random.split(key, 4)
    B, C, H, W = 32, 16, 32, 32
    x = jax.random.normal(ks[0], (T_STEPS, B, C, H, W), dtype=jnp.float32)
    embeddings = jax.random.normal(ks[1], (NUM_EMBED, EMBED_DIM), dtype=jnp.float32)
    alpha = jnp.float32(0.5)
    conv_w = jax.random.normal(ks[2], (16, 16, 1, 1), dtype=jnp.float32) * 0.1
    conv_b = jnp.zeros((16,), dtype=jnp.float32)
    bn_gamma = jnp.ones((16,), dtype=jnp.float32)
    bn_beta = jnp.zeros((16,), dtype=jnp.float32)
    return {"x": x, "embeddings": embeddings, "alpha": alpha, "conv_w": conv_w,
            "conv_b": conv_b, "bn_gamma": bn_gamma, "bn_beta": bn_beta}


def membrane_output(x):
    # MembraneOutputLayer: decayed sum over time, coef = 0.8^(T-1-t)
    t = jnp.arange(T_STEPS - 1, -1, -1, dtype=jnp.float32)
    coef = jnp.power(MEM_DECAY, t)
    return jnp.tensordot(coef, x, axes=(0, 0))


def psp(x):
    # PSP: syn_t = syn_{t-1} + (x_t - syn_{t-1}) / tau_s
    syn = jnp.zeros_like(x[0])
    syns = []
    for t in range(T_STEPS):
        syn = syn + (x[t] - syn) / TAU_S
        syns.append(syn)
    return jnp.stack(syns, axis=0)


def heaviside(v):
    return (v >= 0.0).astype(jnp.float32)


def poisson_block(seq, conv_w, conv_b, gamma, beta):
    # layer.Conv2d(16,16,1) + BatchNorm2d(16) applied per-timestep (SeqToANN style), then LIF
    T, B, C, H, W = seq.shape
    flat = seq.reshape(T * B, C, H, W)
    y = jax.lax.conv_general_dilated(flat, conv_w, (1, 1), 'VALID',
                                     dimension_numbers=('NCHW', 'OIHW', 'NCHW'))
    y = y + conv_b[None, :, None, None]
    mean = jnp.mean(y, axis=(0, 2, 3), keepdims=True)
    var = jnp.var(y, axis=(0, 2, 3), keepdims=True)
    y = (y - mean) / jnp.sqrt(var + 1e-5) * gamma[None, :, None, None] + beta[None, :, None, None]
    y = y.reshape(T, B, C, H, W)
    # LIF neuron: tau=2, v_threshold=1, hard reset to 0, decay_input=True
    v = jnp.zeros_like(y[0])
    spikes = []
    for t in range(T):
        v = v + (y[t] - v) / TAU_LIF
        s = heaviside(v - V_TH)
        v = v * (1.0 - s)
        spikes.append(s)
    return jnp.stack(spikes, axis=0)


def reference(x, embeddings, alpha, conv_w, conv_b, bn_gamma, bn_beta):
    # training-branch forward of VectorQuantizer_uni
    x_memout = (1.0 - alpha) * membrane_output(x) + alpha * jnp.sum(x, axis=0) / T_STEPS
    x_memout = jnp.transpose(x_memout, (0, 2, 3, 1))  # (B,H,W,C)
    flat_x = x_memout.reshape(-1, EMBED_DIM)
    distances = (jnp.sum(flat_x ** 2, axis=1, keepdims=True)
                 + jnp.sum(embeddings ** 2, axis=1)
                 - 2.0 * flat_x @ embeddings.T)
    encoding_indices = jnp.argmin(distances, axis=1)
    _class_indices = jnp.bincount(encoding_indices, length=NUM_EMBED)  # side stat (unused in returned losses)
    quantized = jnp.take(embeddings, encoding_indices, axis=0).reshape(x_memout.shape)
    q_latent_loss = jnp.mean((quantized - jax.lax.stop_gradient(x_memout)) ** 2)
    e_latent_loss = jnp.mean((x_memout - jax.lax.stop_gradient(quantized)) ** 2)
    loss_1 = q_latent_loss + COMMIT * e_latent_loss
    quantized = x_memout + jax.lax.stop_gradient(quantized - x_memout)
    quantized = jnp.transpose(quantized, (0, 3, 1, 2))  # (B,C,H,W)
    q_seq = jnp.broadcast_to(quantized[None], (T_STEPS,) + quantized.shape)
    q_spk = poisson_block(q_seq, conv_w, conv_b, bn_gamma, bn_beta)
    q_latent_loss_2 = jnp.mean((psp(q_spk) - psp(jax.lax.stop_gradient(x))) ** 2)
    e_latent_loss_2 = jnp.mean((psp(jax.lax.stop_gradient(q_spk)) - psp(x)) ** 2)
    loss_2 = q_latent_loss_2 + COMMIT * e_latent_loss_2
    FID_loss = jnp.float32(0.0)
    return (q_spk, loss_1 + loss_2, FID_loss)

if __name__ == "__main__":
    import jax
    _d = setup_inputs()
    print(jax.jit(kernel)(*tuple(_d.values())))

</pallas_src>

<mosaic_0001>
#map = affine_map<(d0, d1) -> (0, 0)>
#map1 = affine_map<(d0, d1) -> (0)>
module attributes {stable_mosaic.version = 14 : i64} {
  func.func @gather_k(%arg0: i32, %arg1: i32, %arg2: memref<8192x16xf32, #tpu.memory_space<hbm>>, %arg3: memref<32768xi32, #tpu.memory_space<hbm>>, %arg4: memref<32768x16xf32, #tpu.memory_space<hbm>>, %arg5: memref<1024xi32, #tpu.memory_space<vmem>>, %arg6: memref<1024x16xf32, #tpu.memory_space<vmem>>, %arg7: memref<!tpu.dma_semaphore, #tpu.memory_space<semaphore_mem>>) attributes {dimension_semantics = [#tpu.dimension_semantics<core_parallel>, #tpu.dimension_semantics<subcore_parallel>], iteration_bounds = array<i64: 2, 16>, scalar_prefetch = 0 : i64, scratch_operands = 3 : i64, tpu.core_type = #tpu.core_type<sc_vector_subcore>, window_params = [{transform_indices = #map}, {transform_indices = #map1}, {transform_indices = #map}]} {
    %mul3A = arith.constant 2 : i32
    %mul3A_0 = arith.muli %arg1, %mul3A : i32
    %add3A = arith.addi %mul3A_0, %arg0 : i32
    %mul3A_1 = arith.constant 1024 : i32
    %mul3A_2 = arith.muli %add3A, %mul3A_1 : i32
    "tpu.region"() ({
      %run_scoped3A = tpu.sem_alloc : memref<!tpu.dma_semaphore, #tpu.memory_space<semaphore_mem>>
      %dma_start3A_7 = tpu.memref_slice %arg3[%mul3A_2] : memref<32768xi32, #tpu.memory_space<hbm>> -> memref<1024xi32, #tpu.memory_space<hbm>>
      %dma_start3A_8 = tpu.memref_slice %arg3[%mul3A_2] : memref<32768xi32, #tpu.memory_space<hbm>> -> memref<1024xi32, #tpu.memory_space<hbm>>
      tpu.enqueue_dma source(%dma_start3A_8 : memref<1024xi32, #tpu.memory_space<hbm>>) target(%arg5 : memref<1024xi32, #tpu.memory_space<vmem>>) target_semaphore(%run_scoped3A : memref<!tpu.dma_semaphore, #tpu.memory_space<semaphore_mem>>)
      %dma_wait3A_9 = tpu.memref_slice %arg3[%mul3A_2] : memref<32768xi32, #tpu.memory_space<hbm>> -> memref<1024xi32, #tpu.memory_space<hbm>>
      %dma_wait3A_10 = tpu.memref_slice %arg3[%mul3A_2] : memref<32768xi32, #tpu.memory_space<hbm>> -> memref<1024xi32, #tpu.memory_space<hbm>>
      tpu.wait_dma2 semaphore(%run_scoped3A : memref<!tpu.dma_semaphore, #tpu.memory_space<semaphore_mem>>) src(%dma_wait3A_10 : memref<1024xi32, #tpu.memory_space<hbm>>) dst(%arg5 : memref<1024xi32, #tpu.memory_space<vmem>>)
      tpu.yield
    }) : () -> ()
    %dma_start3A = arith.constant 0 : i32
    %dma_start3A_3 = arith.constant 0 : i32
    %dma_start3A_4 = tpu.memref_slice %arg2[%dma_start3A, %dma_start3A_3] : memref<8192x16xf32, #tpu.memory_space<hbm>> -> memref<8192x16xf32, #tpu.memory_space<hbm>>
    tpu.enqueue_indirect_dma source(%dma_start3A_4 : memref<8192x16xf32, #tpu.memory_space<hbm>>) target(%arg6 : memref<1024x16xf32, #tpu.memory_space<vmem>>) offsets(%arg5 : memref<1024xi32, #tpu.memory_space<vmem>>) semaphore(%arg7 : memref<!tpu.dma_semaphore, #tpu.memory_space<semaphore_mem>>)
    %dma_wait3A = arith.constant 0 : i32
    %dma_wait3A_5 = arith.constant 0 : i32
    %dma_wait3A_6 = tpu.memref_slice %arg2[%dma_wait3A, %dma_wait3A_5] : memref<8192x16xf32, #tpu.memory_space<hbm>> -> memref<8192x16xf32, #tpu.memory_space<hbm>>
    tpu.wait_indirect_dma semaphore(%arg7 : memref<!tpu.dma_semaphore, #tpu.memory_space<semaphore_mem>>) src(%dma_wait3A_6 : memref<8192x16xf32, #tpu.memory_space<hbm>>) dst(%arg6 : memref<1024x16xf32, #tpu.memory_space<vmem>>)
    "tpu.region"() ({
      %run_scoped3A = tpu.sem_alloc : memref<!tpu.dma_semaphore, #tpu.memory_space<semaphore_mem>>
      %dma_start3A_7 = arith.constant 0 : i32
      %dma_start3A_8 = tpu.memref_slice %arg4[%mul3A_2, %dma_start3A_7] : memref<32768x16xf32, #tpu.memory_space<hbm>> -> memref<1024x16xf32, #tpu.memory_space<hbm>>
      %dma_start3A_9 = arith.constant 0 : i32
      %dma_start3A_10 = tpu.memref_slice %arg4[%mul3A_2, %dma_start3A_9] : memref<32768x16xf32, #tpu.memory_space<hbm>> -> memref<1024x16xf32, #tpu.memory_space<hbm>>
      tpu.enqueue_dma source(%arg6 : memref<1024x16xf32, #tpu.memory_space<vmem>>) target(%dma_start3A_10 : memref<1024x16xf32, #tpu.memory_space<hbm>>) target_semaphore(%run_scoped3A : memref<!tpu.dma_semaphore, #tpu.memory_space<semaphore_mem>>)
      %dma_wait3A_11 = arith.constant 0 : i32
      %dma_wait3A_12 = tpu.memref_slice %arg4[%mul3A_2, %dma_wait3A_11] : memref<32768x16xf32, #tpu.memory_space<hbm>> -> memref<1024x16xf32, #tpu.memory_space<hbm>>
      %dma_wait3A_13 = arith.constant 0 : i32
      %dma_wait3A_14 = tpu.memref_slice %arg4[%mul3A_2, %dma_wait3A_13] : memref<32768x16xf32, #tpu.memory_space<hbm>> -> memref<1024x16xf32, #tpu.memory_space<hbm>>
      tpu.wait_dma2 semaphore(%run_scoped3A : memref<!tpu.dma_semaphore, #tpu.memory_space<semaphore_mem>>) src(%arg6 : memref<1024x16xf32, #tpu.memory_space<vmem>>) dst(%dma_wait3A_14 : memref<1024x16xf32, #tpu.memory_space<hbm>>)
      tpu.yield
    }) : () -> ()
    return
  }
}

module attributes {stable_mosaic.version = 14 : i64} {
  func.func @_stats_kernel(%arg0: i32, %arg1: memref<1024x16xf32, #tpu.memory_space<vmem>>, %arg2: memref<16x1024xf32, #tpu.memory_space<vmem>>, %arg3: memref<16x16xf32, #tpu.memory_space<vmem>>, %arg4: memref<1x16xf32, #tpu.memory_space<vmem>>, %arg5: memref<1x16xf32, #tpu.memory_space<vmem>>) attributes {dimension_semantics = [#tpu.dimension_semantics<arbitrary>], iteration_bounds = array<i64: 32>, scalar_prefetch = 0 : i64, scratch_operands = 0 : i64, tpu.core_type = #tpu.core_type<tc>, window_params = [{transform_indices = @transform_0, window_bounds = array<i64: 1024, 16>}, {transform_indices = @transform_1, window_bounds = array<i64: 16, 1024>}, {pipeline_mode = #tpu.pipeline_mode<synchronous>, transform_indices = @transform_2, window_bounds = array<i64: 16, 16>}, {pipeline_mode = #tpu.pipeline_mode<synchronous>, transform_indices = @transform_3, window_bounds = array<i64: 1, 16>}, {pipeline_mode = #tpu.pipeline_mode<synchronous>, transform_indices = @transform_4, window_bounds = array<i64: 1, 16>}]} {
    %get3A = arith.constant 0 : index
    %get3A_0 = arith.constant 0 : index
    %get3A_1 = vector.load %arg2[%get3A, %get3A_0] : memref<16x1024xf32, #tpu.memory_space<vmem>>, vector<16x1024xf32>
    %get3A_2 = arith.constant 0 : index
    %get3A_3 = arith.constant 0 : index
    %get3A_4 = vector.load %arg1[%get3A_2, %get3A_3] : memref<1024x16xf32, #tpu.memory_space<vmem>>, vector<1024x16xf32>
    %transpose3A = tpu.transpose %get3A_4, [1, 0] : vector<1024x16xf32> -> vector<16x1024xf32>
    %sub3A = arith.subf %transpose3A, %get3A_1 : vector<16x1024xf32>
    %add3A = arith.addf %get3A_1, %sub3A : vector<16x1024xf32>
    %get3A_5 = arith.constant 0 : index
    %get3A_6 = arith.constant 0 : index
    %get3A_7 = vector.load %arg3[%get3A_5, %get3A_6] : memref<16x16xf32, #tpu.memory_space<vmem>>, vector<16x16xf32>
    %convert_element_type3A = arith.truncf %get3A_7 : vector<16x16xf32> to vector<16x16xbf16>
    %convert_element_type3A_8 = arith.truncf %add3A : vector<16x1024xf32> to vector<16x1024xbf16>
    %dot_general3A = arith.constant dense<0.000000e+00> : vector<16x1024xf32>
    %dot_general3A_9 = tpu.matmul %convert_element_type3A, %convert_element_type3A_8, %dot_general3A {dimension_numbers = #tpu.dot_dimension_numbers<[1], [0], [0], [1], [0, 0, 1, 1], [], []>, transpose_lhs_hint = false} : vector<16x16xbf16>, vector<16x1024xbf16>, vector<16x1024xf32> -> vector<16x1024xf32>
    %eq3A = arith.constant 0 : i32
    %eq3A_10 = arith.cmpi eq, %arg0, %eq3A : i32
    %convert_element_type3A_11 = arith.extui %eq3A_10 : i1 to i32
    %cond3A = arith.constant 0 : i32
    %cond3A_12 = arith.cmpi ne, %convert_element_type3A_11, %cond3A : i32
    scf.if %cond3A_12 {
      %broadcast_in_dim3A_31 = arith.constant 0.000000e+00 : f32
      %broadcast_in_dim3A_32 = vector.broadcast %broadcast_in_dim3A_31 : f32 to vector<1x16xf32>
      %swap3A_33 = arith.constant 0 : index
      %swap3A_34 = arith.constant 0 : index
      %swap3A_35 = vector.load %arg4[%swap3A_33, %swap3A_34] : memref<1x16xf32, #tpu.memory_space<vmem>>, vector<1x16xf32>
      tpu.vector_store %arg4[%swap3A_33, %swap3A_34], %broadcast_in_dim3A_32 {strides = array<i32>} : memref<1x16xf32, #tpu.memory_space<vmem>>, vector<1x16xf32>,
      %broadcast_in_dim3A_36 = arith.constant 0.000000e+00 : f32
      %broadcast_in_dim3A_37 = vector.broadcast %broadcast_in_dim3A_36 : f32 to vector<1x16xf32>
      %swap3A_38 = arith.constant 0 : index
      %swap3A_39 = arith.constant 0 : index
      %swap3A_40 = vector.load %arg5[%swap3A_38, %swap3A_39] : memref<1x16xf32, #tpu.memory_space<vmem>>, vector<1x16xf32>
      tpu.vector_store %arg5[%swap3A_38, %swap3A_39], %broadcast_in_dim3A_37 {strides = array<i32>} : memref<1x16xf32, #tpu.memory_space<vmem>>, vector<1x16xf32>,
    } else {
    }
    %get3A_13 = arith.constant 0 : index
    %get3A_14 = arith.constant 0 : index
    %get3A_15 = vector.load %arg4[%get3A_13, %get3A_14] : memref<1x16xf32, #tpu.memory_space<vmem>>, vector<1x16xf32>
    %reduce_sum3A = arith.constant dense<0.000000e+00> : vector<16xf32>
    %reduce_sum3A_16 = vector.multi_reduction <add>, %dot_general3A_9, %reduce_sum3A [1] : vector<16x1024xf32> to vector<16xf32>
    %broadcast_in_dim3A = vector.shape_cast %reduce_sum3A_16 : vector<16xf32> to vector<16x1xf32>
    %reshape3A = vector.shape_cast %broadcast_in_dim3A : vector<16x1xf32> to vector<1x16xf32>
    %add3A_17 = arith.addf %get3A_15, %reshape3A : vector<1x16xf32>
    %swap3A = arith.constant 0 : index
    %swap3A_18 = arith.constant 0 : index
    %swap3A_19 = vector.load %arg4[%swap3A, %swap3A_18] : memref<1x16xf32, #tpu.memory_space<vmem>>, vector<1x16xf32>
    tpu.vector_store %arg4[%swap3A, %swap3A_18], %add3A_17 {strides = array<i32>} : memref<1x16xf32, #tpu.memory_space<vmem>>, vector<1x16xf32>,
    %get3A_20 = arith.constant 0 : index
    %get3A_21 = arith.constant 0 : index
    %get3A_22 = vector.load %arg5[%get3A_20, %get3A_21] : memref<1x16xf32, #tpu.memory_space<vmem>>, vector<1x16xf32>
    %mul3A = arith.mulf %dot_general3A_9, %dot_general3A_9 : vector<16x1024xf32>
    %reduce_sum3A_23 = arith.constant dense<0.000000e+00> : vector<16xf32>
    %reduce_sum3A_24 = vector.multi_reduction <add>, %mul3A, %reduce_sum3A_23 [1] : vector<16x1024xf32> to vector<16xf32>
    %broadcast_in_dim3A_25 = vector.shape_cast %reduce_sum3A_24 : vector<16xf32> to vector<16x1xf32>
    %reshape3A_26 = vector.shape_cast %broadcast_in_dim3A_25 : vector<16x1xf32> to vector<1x16xf32>
    %add3A_27 = arith.addf %get3A_22, %reshape3A_26 : vector<1x16xf32>
    %swap3A_28 = arith.constant 0 : index
    %swap3A_29 = arith.constant 0 : index
    %swap3A_30 = vector.load %arg5[%swap3A_28, %swap3A_29] : memref<1x16xf32, #tpu.memory_space<vmem>>, vector<1x16xf32>
    tpu.vector_store %arg5[%swap3A_28, %swap3A_29], %add3A_27 {strides = array<i32>} : memref<1x16xf32, #tpu.memory_space<vmem>>, vector<1x16xf32>,
    return
  }
  func.func @transform_0(%arg0: i32) -> (i32, i32) {
    %c0_i32 = arith.constant 0 : i32
    %c0_i32_0 = arith.constant 0 : i32
    return %arg0, %c0_i32 : i32, i32
  }
  func.func @transform_1(%arg0: i32) -> (i32, i32) {
    %c0_i32 = arith.constant 0 : i32
    %c0_i32_0 = arith.constant 0 : i32
    return %c0_i32, %arg0 : i32, i32
  }
  func.func @transform_2(%arg0: i32) -> (i32, i32) {
    %c0_i32 = arith.constant 0 : i32
    %c0_i32_0 = arith.constant 0 : i32
    %c0_i32_1 = arith.constant 0 : i32
    return %c0_i32, %c0_i32_0 : i32, i32
  }
  func.func @transform_3(%arg0: i32) -> (i32, i32) {
    %c0_i32 = arith.constant 0 : i32
    %c0_i32_0 = arith.constant 0 : i32
    %c0_i32_1 = arith.constant 0 : i32
    return %c0_i32, %c0_i32_0 : i32, i32
  }
  func.func @transform_4(%arg0: i32) -> (i32, i32) {
    %c0_i32 = arith.constant 0 : i32
    %c0_i32_0 = arith.constant 0 : i32
    %c0_i32_1 = arith.constant 0 : i32
    return %c0_i32, %c0_i32_0 : i32, i32
  }
}

module attributes {stable_mosaic.version = 14 : i64} {
  func.func @_post_kernel(%arg0: i32, %arg1: memref<1024x16xf32, #tpu.memory_space<vmem>>, %arg2: memref<16x1024xf32, #tpu.memory_space<vmem>>, %arg3: memref<16x1x16x32x32xf32, #tpu.memory_space<vmem>>, %arg4: memref<16x16xf32, #tpu.memory_space<vmem>>, %arg5: memref<1x16xf32, #tpu.memory_space<vmem>>, %arg6: memref<1x16xf32, #tpu.memory_space<vmem>>, %arg7: memref<1x16xf32, #tpu.memory_space<vmem>>, %arg8: memref<1x16xf32, #tpu.memory_space<vmem>>, %arg9: memref<1x16xf32, #tpu.memory_space<vmem>>, %arg10: memref<16x1x16x32x32xf32, #tpu.memory_space<vmem>>, %arg11: memref<1x1xf32, #tpu.memory_space<vmem>>, %arg12: memref<1x1xf32, #tpu.memory_space<vmem>>) attributes {dimension_semantics = [#tpu.dimension_semantics<arbitrary>], iteration_bounds = array<i64: 32>, scalar_prefetch = 0 : i64, scratch_operands = 0 : i64, tpu.core_type = #tpu.core_type<tc>, window_params = [{transform_indices = @transform_0, window_bounds = array<i64: 1024, 16>}, {transform_indices = @transform_1, window_bounds = array<i64: 16, 1024>}, {transform_indices = @transform_2, window_bounds = array<i64: 16, 1, 16, 32, 32>}, {pipeline_mode = #tpu.pipeline_mode<synchronous>, transform_indices = @transform_3, window_bounds = array<i64: 16, 16>}, {pipeline_mode = #tpu.pipeline_mode<synchronous>, transform_indices = @transform_4, window_bounds = array<i64: 1, 16>}, {pipeline_mode = #tpu.pipeline_mode<synchronous>, transform_indices = @transform_5, window_bounds = array<i64: 1, 16>}, {pipeline_mode = #tpu.pipeline_mode<synchronous>, transform_indices = @transform_6, window_bounds = array<i64: 1, 16>}, {pipeline_mode = #tpu.pipeline_mode<synchronous>, transform_indices = @transform_7, window_bounds = array<i64: 1, 16>}, {pipeline_mode = #tpu.pipeline_mode<synchronous>, transform_indices = @transform_8, window_bounds = array<i64: 1, 16>}, {transform_indices = @transform_9, window_bounds = array<i64: 16, 1, 16, 32, 32>}, {pipeline_mode = #tpu.pipeline_mode<synchronous>, transform_indices = @transform_10, window_bounds = array<i64: 1, 1>}, {pipeline_mode = #tpu.pipeline_mode<synchronous>, transform_indices = @transform_11, window_bounds = array<i64: 1, 1>}]} {
    %get3A = arith.constant 0 : index
    %get3A_0 = arith.constant 0 : index
    %get3A_1 = vector.load %arg1[%get3A, %get3A_0] : memref<1024x16xf32, #tpu.memory_space<vmem>>, vector<1024x16xf32>
    %transpose3A = tpu.transpose %get3A_1, [1, 0] : vector<1024x16xf32> -> vector<16x1024xf32>
    %get3A_2 = arith.constant 0 : index
    %get3A_3 = arith.constant 0 : index
    %get3A_4 = vector.load %arg2[%get3A_2, %get3A_3] : memref<16x1024xf32, #tpu.memory_space<vmem>>, vector<16x1024xf32>
    %sub3A = arith.subf %transpose3A, %get3A_4 : vector<16x1024xf32>
    %integer_pow3A = arith.mulf %sub3A, %sub3A : vector<16x1024xf32>
    %reduce_sum3A = vector.shape_cast %integer_pow3A : vector<16x1024xf32> to vector<1x16x1024xf32>
    %reduce_sum3A_5 = arith.constant dense<0.000000e+00> : vector<1xf32>
    %reduce_sum3A_6 = vector.multi_reduction <add>, %reduce_sum3A, %reduce_sum3A_5 [1, 2] : vector<1x16x1024xf32> to vector<1xf32>
    %reduce_sum3A_7 = vector.shape_cast %reduce_sum3A_6 : vector<1xf32> to vector<1x1x1xf32>
    %reduce_sum3A_8 = vector.extract %reduce_sum3A_7[0, 0, 0] : f32 from vector<1x1x1xf32>
    %sub3A_9 = arith.subf %transpose3A, %get3A_4 : vector<16x1024xf32>
    %add3A = arith.addf %get3A_4, %sub3A_9 : vector<16x1024xf32>
    %get3A_10 = arith.constant 0 : index
    %get3A_11 = arith.constant 0 : index
    %get3A_12 = vector.load %arg4[%get3A_10, %get3A_11] : memref<16x16xf32, #tpu.memory_space<vmem>>, vector<16x16xf32>
    %convert_element_type3A = arith.truncf %get3A_12 : vector<16x16xf32> to vector<16x16xbf16>
    %convert_element_type3A_13 = arith.truncf %add3A : vector<16x1024xf32> to vector<16x1024xbf16>
    %dot_general3A = arith.constant dense<0.000000e+00> : vector<16x1024xf32>
    %dot_general3A_14 = tpu.matmul %convert_element_type3A, %convert_element_type3A_13, %dot_general3A {dimension_numbers = #tpu.dot_dimension_numbers<[1], [0], [0], [1], [0, 0, 1, 1], [], []>, transpose_lhs_hint = false} : vector<16x16xbf16>, vector<16x1024xbf16>, vector<16x1024xf32> -> vector<16x1024xf32>
    %get3A_15 = arith.constant 0 : index
    %get3A_16 = arith.constant 0 : index
    %get3A_17 = vector.load %arg5[%get3A_15, %get3A_16] : memref<1x16xf32, #tpu.memory_space<vmem>>, vector<1x16xf32>
    %get3A_18 = vector.shape_cast %get3A_17 : vector<1x16xf32> to vector<16xf32>
    %broadcast_in_dim3A = vector.shape_cast %get3A_18 : vector<16xf32> to vector<16x1xf32>
    %add3A_19 = vector.broadcast %broadcast_in_dim3A : vector<16x1xf32> to vector<16x1024xf32>
    %add3A_20 = arith.addf %dot_general3A_14, %add3A_19 : vector<16x1024xf32>
    %get3A_21 = arith.constant 0 : index
    %get3A_22 = arith.constant 0 : index
    %get3A_23 = vector.load %arg8[%get3A_21, %get3A_22] : memref<1x16xf32, #tpu.memory_space<vmem>>, vector<1x16xf32>
    %get3A_24 = vector.shape_cast %get3A_23 : vector<1x16xf32> to vector<16xf32>
    %div3A = arith.constant 3.276800e+04 : f32
    %div3A_25 = vector.broadcast %div3A : f32 to vector<16xf32>
    %div3A_26 = arith.divf %get3A_24, %div3A_25 : vector<16xf32>
    %get3A_27 = arith.constant 0 : index
    %get3A_28 = arith.constant 0 : index
    %get3A_29 = vector.load %arg5[%get3A_27, %get3A_28] : memref<1x16xf32, #tpu.memory_space<vmem>>, vector<1x16xf32>
    %get3A_30 = vector.shape_cast %get3A_29 : vector<1x16xf32> to vector<16xf32>
    %add3A_31 = arith.addf %div3A_26, %get3A_30 : vector<16xf32>
    %get3A_32 = arith.constant 0 : index
    %get3A_33 = arith.constant 0 : index
    %get3A_34 = vector.load %arg9[%get3A_32, %get3A_33] : memref<1x16xf32, #tpu.memory_space<vmem>>, vector<1x16xf32>
    %get3A_35 = vector.shape_cast %get3A_34 : vector<1x16xf32> to vector<16xf32>
    %div3A_36 = arith.constant 3.276800e+04 : f32
    %div3A_37 = vector.broadcast %div3A_36 : f32 to vector<16xf32>
    %div3A_38 = arith.divf %get3A_35, %div3A_37 : vector<16xf32>
    %get3A_39 = arith.constant 0 : index
    %get3A_40 = arith.constant 0 : index
    %get3A_41 = vector.load %arg8[%get3A_39, %get3A_40] : memref<1x16xf32, #tpu.memory_space<vmem>>, vector<1x16xf32>
    %get3A_42 = vector.shape_cast %get3A_41 : vector<1x16xf32> to vector<16xf32>
    %div3A_43 = arith.constant 3.276800e+04 : f32
    %div3A_44 = vector.broadcast %div3A_43 : f32 to vector<16xf32>
    %div3A_45 = arith.divf %get3A_42, %div3A_44 : vector<16xf32>
    %integer_pow3A_46 = arith.mulf %div3A_45, %div3A_45 : vector<16xf32>
    %sub3A_47 = arith.subf %div3A_38, %integer_pow3A_46 : vector<16xf32>
    %broadcast_in_dim3A_48 = vector.shape_cast %add3A_31 : vector<16xf32> to vector<16x1xf32>
    %sub3A_49 = vector.broadcast %broadcast_in_dim3A_48 : vector<16x1xf32> to vector<16x1024xf32>
    %sub3A_50 = arith.subf %add3A_20, %sub3A_49 : vector<16x1024xf32>
    %add3A_51 = arith.constant 9.99999974E-6 : f32
    %add3A_52 = vector.broadcast %add3A_51 : f32 to vector<16xf32>
    %add3A_53 = arith.addf %sub3A_47, %add3A_52 : vector<16xf32>
    %sqrt3A = math.sqrt %add3A_53 : vector<16xf32>
    %broadcast_in_dim3A_54 = vector.shape_cast %sqrt3A : vector<16xf32> to vector<16x1xf32>
    %div3A_55 = vector.broadcast %broadcast_in_dim3A_54 : vector<16x1xf32> to vector<16x1024xf32>
    %div3A_56 = arith.divf %sub3A_50, %div3A_55 : vector<16x1024xf32>
    %get3A_57 = arith.constant 0 : index
    %get3A_58 = arith.constant 0 : index
    %get3A_59 = vector.load %arg6[%get3A_57, %get3A_58] : memref<1x16xf32, #tpu.memory_space<vmem>>, vector<1x16xf32>
    %get3A_60 = vector.shape_cast %get3A_59 : vector<1x16xf32> to vector<16xf32>
    %broadcast_in_dim3A_61 = vector.shape_cast %get3A_60 : vector<16xf32> to vector<16x1xf32>
    %mul3A = vector.broadcast %broadcast_in_dim3A_61 : vector<16x1xf32> to vector<16x1024xf32>
    %mul3A_62 = arith.mulf %div3A_56, %mul3A : vector<16x1024xf32>
    %get3A_63 = arith.constant 0 : index
    %get3A_64 = arith.constant 0 : index
    %get3A_65 = vector.load %arg7[%get3A_63, %get3A_64] : memref<1x16xf32, #tpu.memory_space<vmem>>, vector<1x16xf32>
    %get3A_66 = vector.shape_cast %get3A_65 : vector<1x16xf32> to vector<16xf32>
    %broadcast_in_dim3A_67 = vector.shape_cast %get3A_66 : vector<16xf32> to vector<16x1xf32>
    %add3A_68 = vector.broadcast %broadcast_in_dim3A_67 : vector<16x1xf32> to vector<16x1024xf32>
    %add3A_69 = arith.addf %mul3A_62, %add3A_68 : vector<16x1024xf32>
    %broadcast_in_dim3A_70 = arith.constant 0.000000e+00 : f32
    %broadcast_in_dim3A_71 = vector.broadcast %broadcast_in_dim3A_70 : f32 to vector<16x1024xf32>
    %broadcast_in_dim3A_72 = arith.constant 0.000000e+00 : f32
    %broadcast_in_dim3A_73 = vector.broadcast %broadcast_in_dim3A_72 : f32 to vector<16x1024xf32>
    %sub3A_74 = arith.subf %add3A_69, %broadcast_in_dim3A_71 : vector<16x1024xf32>
    %div3A_75 = arith.constant 2.000000e+00 : f32
    %div3A_76 = vector.broadcast %div3A_75 : f32 to vector<16x1024xf32>
    %div3A_77 = arith.divf %sub3A_74, %div3A_76 : vector<16x1024xf32>
    %add3A_78 = arith.addf %broadcast_in_dim3A_71, %div3A_77 : vector<16x1024xf32>
    %ge3A = arith.constant 1.000000e+00 : f32
    %ge3A_79 = vector.broadcast %ge3A : f32 to vector<16x1024xf32>
    %ge3A_80 = arith.cmpf oge, %add3A_78, %ge3A_79 : vector<16x1024xf32>
    %convert_element_type3A_81 = arith.extui %ge3A_80 : vector<16x1024xi1> to vector<16x1024xi32>
    %convert_element_type3A_82 = arith.sitofp %convert_element_type3A_81 : vector<16x1024xi32> to vector<16x1024xf32>
    %sub3A_83 = arith.constant 1.000000e+00 : f32
    %sub3A_84 = vector.broadcast %sub3A_83 : f32 to vector<16x1024xf32>
    %sub3A_85 = arith.subf %sub3A_84, %convert_element_type3A_82 : vector<16x1024xf32>
    %mul3A_86 = arith.mulf %add3A_78, %sub3A_85 : vector<16x1024xf32>
    %reshape3A = vector.shape_cast %convert_element_type3A_82 : vector<16x1024xf32> to vector<16x32x32xf32>
    %swap3A = arith.constant 0 : index
    %swap3A_87 = arith.constant 0 : index
    %swap3A_88 = arith.constant 0 : index
    %swap3A_89 = arith.constant 0 : index
    %swap3A_90 = arith.constant 0 : index
    %swap3A_91 = vector.load %arg10[%swap3A, %swap3A_87, %swap3A_88, %swap3A_89, %swap3A_90] : memref<16x1x16x32x32xf32, #tpu.memory_space<vmem>>, vector<1x1x16x32x32xf32>
    %swap3A_92 = vector.shape_cast %swap3A_91 : vector<1x1x16x32x32xf32> to vector<16x32x32xf32>
    %swap3A_93 = vector.shape_cast %reshape3A : vector<16x32x32xf32> to vector<1x1x16x32x32xf32>
    tpu.vector_store %arg10[%swap3A, %swap3A_87, %swap3A_88, %swap3A_89, %swap3A_90], %swap3A_93 {strides = array<i32>} : memref<16x1x16x32x32xf32, #tpu.memory_space<vmem>>, vector<1x1x16x32x32xf32>,
    %get3A_94 = arith.constant 0 : index
    %get3A_95 = arith.constant 0 : index
    %get3A_96 = arith.constant 0 : index
    %get3A_97 = arith.constant 0 : index
    %get3A_98 = arith.constant 0 : index
    %get3A_99 = vector.load %arg3[%get3A_94, %get3A_95, %get3A_96, %get3A_97, %get3A_98] : memref<16x1x16x32x32xf32, #tpu.memory_space<vmem>>, vector<1x1x16x32x32xf32>
    %get3A_100 = vector.shape_cast %get3A_99 : vector<1x1x16x32x32xf32> to vector<16x32x32xf32>
    %reshape3A_101 = vector.shape_cast %get3A_100 : vector<16x32x32xf32> to vector<16x1024xf32>
    %sub3A_102 = arith.subf %convert_element_type3A_82, %reshape3A_101 : vector<16x1024xf32>
    %sub3A_103 = arith.subf %sub3A_102, %broadcast_in_dim3A_73 : vector<16x1024xf32>
    %div3A_104 = arith.constant 2.000000e+00 : f32
    %div3A_105 = vector.broadcast %div3A_104 : f32 to vector<16x1024xf32>
    %div3A_106 = arith.divf %sub3A_103, %div3A_105 : vector<16x1024xf32>
    %add3A_107 = arith.addf %broadcast_in_dim3A_73, %div3A_106 : vector<16x1024xf32>
    %mul3A_108 = arith.mulf %add3A_107, %add3A_107 : vector<16x1024xf32>
    %reduce_sum3A_109 = vector.shape_cast %mul3A_108 : vector<16x1024xf32> to vector<1x16x1024xf32>
    %reduce_sum3A_110 = arith.constant dense<0.000000e+00> : vector<1xf32>
    %reduce_sum3A_111 = vector.multi_reduction <add>, %reduce_sum3A_109, %reduce_sum3A_110 [1, 2] : vector<1x16x1024xf32> to vector<1xf32>
    %reduce_sum3A_112 = vector.shape_cast %reduce_sum3A_111 : vector<1xf32> to vector<1x1x1xf32>
    %reduce_sum3A_113 = vector.extract %reduce_sum3A_112[0, 0, 0] : f32 from vector<1x1x1xf32>
    %add3A_114 = arith.constant 0.000000e+00 : f32
    %add3A_115 = arith.addf %add3A_114, %reduce_sum3A_113 : f32
    %sub3A_116 = arith.subf %add3A_69, %mul3A_86 : vector<16x1024xf32>
    %div3A_117 = arith.constant 2.000000e+00 : f32
    %div3A_118 = vector.broadcast %div3A_117 : f32 to vector<16x1024xf32>
    %div3A_119 = arith.divf %sub3A_116, %div3A_118 : vector<16x1024xf32>
    %add3A_120 = arith.addf %mul3A_86, %div3A_119 : vector<16x1024xf32>
    %ge3A_121 = arith.constant 1.000000e+00 : f32
    %ge3A_122 = vector.broadcast %ge3A_121 : f32 to vector<16x1024xf32>
    %ge3A_123 = arith.cmpf oge, %add3A_120, %ge3A_122 : vector<16x1024xf32>
    %convert_element_type3A_124 = arith.extui %ge3A_123 : vector<16x1024xi1> to vector<16x1024xi32>
    %convert_element_type3A_125 = arith.sitofp %convert_element_type3A_124 : vector<16x1024xi32> to vector<16x1024xf32>
    %sub3A_126 = arith.constant 1.000000e+00 : f32
    %sub3A_127 = vector.broadcast %sub3A_126 : f32 to vector<16x1024xf32>
    %sub3A_128 = arith.subf %sub3A_127, %convert_element_type3A_125 : vector<16x1024xf32>
    %mul3A_129 = arith.mulf %add3A_120, %sub3A_128 : vector<16x1024xf32>
    %reshape3A_130 = vector.shape_cast %convert_element_type3A_125 : vector<16x1024xf32> to vector<16x32x32xf32>
    %swap3A_131 = arith.constant 1 : index
    %swap3A_132 = arith.constant 0 : index
    %swap3A_133 = arith.constant 0 : index
    %swap3A_134 = arith.constant 0 : index
    %swap3A_135 = arith.constant 0 : index
    %swap3A_136 = vector.load %arg10[%swap3A_131, %swap3A_132, %swap3A_133, %swap3A_134, %swap3A_135] : memref<16x1x16x32x32xf32, #tpu.memory_space<vmem>>, vector<1x1x16x32x32xf32>
    %swap3A_137 = vector.shape_cast %swap3A_136 : vector<1x1x16x32x32xf32> to vector<16x32x32xf32>
    %swap3A_138 = vector.shape_cast %reshape3A_130 : vector<16x32x32xf32> to vector<1x1x16x32x32xf32>
    tpu.vector_store %arg10[%swap3A_131, %swap3A_132, %swap3A_133, %swap3A_134, %swap3A_135], %swap3A_138 {strides = array<i32>} : memref<16x1x16x32x32xf32, #tpu.memory_space<vmem>>, vector<1x1x16x32x32xf32>,
    %get3A_139 = arith.constant 1 : index
    %get3A_140 = arith.constant 0 : index
    %get3A_141 = arith.constant 0 : index
    %get3A_142 = arith.constant 0 : index
    %get3A_143 = arith.constant 0 : index
    %get3A_144 = vector.load %arg3[%get3A_139, %get3A_140, %get3A_141, %get3A_142, %get3A_143] : memref<16x1x16x32x32xf32, #tpu.memory_space<vmem>>, vector<1x1x16x32x32xf32>
    %get3A_145 = vector.shape_cast %get3A_144 : vector<1x1x16x32x32xf32> to vector<16x32x32xf32>
    %reshape3A_146 = vector.shape_cast %get3A_145 : vector<16x32x32xf32> to vector<16x1024xf32>
    %sub3A_147 = arith.subf %convert_element_type3A_125, %reshape3A_146 : vector<16x1024xf32>
    %sub3A_148 = arith.subf %sub3A_147, %add3A_107 : vector<16x1024xf32>
    %div3A_149 = arith.constant 2.000000e+00 : f32
    %div3A_150 = vector.broadcast %div3A_149 : f32 to vector<16x1024xf32>
    %div3A_151 = arith.divf %sub3A_148, %div3A_150 : vector<16x1024xf32>
    %add3A_152 = arith.addf %add3A_107, %div3A_151 : vector<16x1024xf32>
    %mul3A_153 = arith.mulf %add3A_152, %add3A_152 : vector<16x1024xf32>
    %reduce_sum3A_154 = vector.shape_cast %mul3A_153 : vector<16x1024xf32> to vector<1x16x1024xf32>
    %reduce_sum3A_155 = arith.constant dense<0.000000e+00> : vector<1xf32>
    %reduce_sum3A_156 = vector.multi_reduction <add>, %reduce_sum3A_154, %reduce_sum3A_155 [1, 2] : vector<1x16x1024xf32> to vector<1xf32>
    %reduce_sum3A_157 = vector.shape_cast %reduce_sum3A_156 : vector<1xf32> to vector<1x1x1xf32>
    %reduce_sum3A_158 = vector.extract %reduce_sum3A_157[0, 0, 0] : f32 from vector<1x1x1xf32>
    %add3A_159 = arith.addf %add3A_115, %reduce_sum3A_158 : f32
    %sub3A_160 = arith.subf %add3A_69, %mul3A_129 : vector<16x1024xf32>
    %div3A_161 = arith.constant 2.000000e+00 : f32
    %div3A_162 = vector.broadcast %div3A_161 : f32 to vector<16x1024xf32>
    %div3A_163 = arith.divf %sub3A_160, %div3A_162 : vector<16x1024xf32>
    %add3A_164 = arith.addf %mul3A_129, %div3A_163 : vector<16x1024xf32>
    %ge3A_165 = arith.constant 1.000000e+00 : f32
    %ge3A_166 = vector.broadcast %ge3A_165 : f32 to vector<16x1024xf32>
    %ge3A_167 = arith.cmpf oge, %add3A_164, %ge3A_166 : vector<16x1024xf32>
    %convert_element_type3A_168 = arith.extui %ge3A_167 : vector<16x1024xi1> to vector<16x1024xi32>
    %convert_element_type3A_169 = arith.sitofp %convert_element_type3A_168 : vector<16x1024xi32> to vector<16x1024xf32>
    %sub3A_170 = arith.constant 1.000000e+00 : f32
    %sub3A_171 = vector.broadcast %sub3A_170 : f32 to vector<16x1024xf32>
    %sub3A_172 = arith.subf %sub3A_171, %convert_element_type3A_169 : vector<16x1024xf32>
    %mul3A_173 = arith.mulf %add3A_164, %sub3A_172 : vector<16x1024xf32>
    %reshape3A_174 = vector.shape_cast %convert_element_type3A_169 : vector<16x1024xf32> to vector<16x32x32xf32>
    %swap3A_175 = arith.constant 2 : index
    %swap3A_176 = arith.constant 0 : index
    %swap3A_177 = arith.constant 0 : index
    %swap3A_178 = arith.constant 0 : index
    %swap3A_179 = arith.constant 0 : index
    %swap3A_180 = vector.load %arg10[%swap3A_175, %swap3A_176, %swap3A_177, %swap3A_178, %swap3A_179] : memref<16x1x16x32x32xf32, #tpu.memory_space<vmem>>, vector<1x1x16x32x32xf32>
    %swap3A_181 = vector.shape_cast %swap3A_180 : vector<1x1x16x32x32xf32> to vector<16x32x32xf32>
    %swap3A_182 = vector.shape_cast %reshape3A_174 : vector<16x32x32xf32> to vector<1x1x16x32x32xf32>
    tpu.vector_store %arg10[%swap3A_175, %swap3A_176, %swap3A_177, %swap3A_178, %swap3A_179], %swap3A_182 {strides = array<i32>} : memref<16x1x16x32x32xf32, #tpu.memory_space<vmem>>, vector<1x1x16x32x32xf32>,
    %get3A_183 = arith.constant 2 : index
    %get3A_184 = arith.constant 0 : index
    %get3A_185 = arith.constant 0 : index
    %get3A_186 = arith.constant 0 : index
    %get3A_187 = arith.constant 0 : index
    %get3A_188 = vector.load %arg3[%get3A_183, %get3A_184, %get3A_185, %get3A_186, %get3A_187] : memref<16x1x16x32x32xf32, #tpu.memory_space<vmem>>, vector<1x1x16x32x32xf32>
    %get3A_189 = vector.shape_cast %get3A_188 : vector<1x1x16x32x32xf32> to vector<16x32x32xf32>
    %reshape3A_190 = vector.shape_cast %get3A_189 : vector<16x32x32xf32> to vector<16x1024xf32>
    %sub3A_191 = arith.subf %convert_element_type3A_169, %reshape3A_190 : vector<16x1024xf32>
    %sub3A_192 = arith.subf %sub3A_191, %add3A_152 : vector<16x1024xf32>
    %div3A_193 = arith.constant 2.000000e+00 : f32
    %div3A_194 = vector.broadcast %div3A_193 : f32 to vector<16x1024xf32>
    %div3A_195 = arith.divf %sub3A_192, %div3A_194 : vector<16x1024xf32>
    %add3A_196 = arith.addf %add3A_152, %div3A_195 : vector<16x1024xf32>
    %mul3A_197 = arith.mulf %add3A_196, %add3A_196 : vector<16x1024xf32>
    %reduce_sum3A_198 = vector.shape_cast %mul3A_197 : vector<16x1024xf32> to vector<1x16x1024xf32>
    %reduce_sum3A_199 = arith.constant dense<0.000000e+00> : vector<1xf32>
    %reduce_sum3A_200 = vector.multi_reduction <add>, %reduce_sum3A_198, %reduce_sum3A_199 [1, 2] : vector<1x16x1024xf32> to vector<1xf32>
    %reduce_sum3A_201 = vector.shape_cast %reduce_sum3A_200 : vector<1xf32> to vector<1x1x1xf32>
    %reduce_sum3A_202 = vector.extract %reduce_sum3A_201[0, 0, 0] : f32 from vector<1x1x1xf32>
    %add3A_203 = arith.addf %add3A_159, %reduce_sum3A_202 : f32
    %sub3A_204 = arith.subf %add3A_69, %mul3A_173 : vector<16x1024xf32>
    %div3A_205 = arith.constant 2.000000e+00 : f32
    %div3A_206 = vector.broadcast %div3A_205 : f32 to vector<16x1024xf32>
    %div3A_207 = arith.divf %sub3A_204, %div3A_206 : vector<16x1024xf32>
    %add3A_208 = arith.addf %mul3A_173, %div3A_207 : vector<16x1024xf32>
    %ge3A_209 = arith.constant 1.000000e+00 : f32
    %ge3A_210 = vector.broadcast %ge3A_209 : f32 to vector<16x1024xf32>
    %ge3A_211 = arith.cmpf oge, %add3A_208, %ge3A_210 : vector<16x1024xf32>
    %convert_element_type3A_212 = arith.extui %ge3A_211 : vector<16x1024xi1> to vector<16x1024xi32>
    %convert_element_type3A_213 = arith.sitofp %convert_element_type3A_212 : vector<16x1024xi32> to vector<16x1024xf32>
    %sub3A_214 = arith.constant 1.000000e+00 : f32
    %sub3A_215 = vector.broadcast %sub3A_214 : f32 to vector<16x1024xf32>
    %sub3A_216 = arith.subf %sub3A_215, %convert_element_type3A_213 : vector<16x1024xf32>
    %mul3A_217 = arith.mulf %add3A_208, %sub3A_216 : vector<16x1024xf32>
    %reshape3A_218 = vector.shape_cast %convert_element_type3A_213 : vector<16x1024xf32> to vector<16x32x32xf32>
    %swap3A_219 = arith.constant 3 : index
    %swap3A_220 = arith.constant 0 : index
    %swap3A_221 = arith.constant 0 : index
    %swap3A_222 = arith.constant 0 : index
    %swap3A_223 = arith.constant 0 : index
    %swap3A_224 = vector.load %arg10[%swap3A_219, %swap3A_220, %swap3A_221, %swap3A_222, %swap3A_223] : memref<16x1x16x32x32xf32, #tpu.memory_space<vmem>>, vector<1x1x16x32x32xf32>
    %swap3A_225 = vector.shape_cast %swap3A_224 : vector<1x1x16x32x32xf32> to vector<16x32x32xf32>
    %swap3A_226 = vector.shape_cast %reshape3A_218 : vector<16x32x32xf32> to vector<1x1x16x32x32xf32>
    tpu.vector_store %arg10[%swap3A_219, %swap3A_220, %swap3A_221, %swap3A_222, %swap3A_223], %swap3A_226 {strides = array<i32>} : memref<16x1x16x32x32xf32, #tpu.memory_space<vmem>>, vector<1x1x16x32x32xf32>,
    %get3A_227 = arith.constant 3 : index
    %get3A_228 = arith.constant 0 : index
    %get3A_229 = arith.constant 0 : index
    %get3A_230 = arith.constant 0 : index
    %get3A_231 = arith.constant 0 : index
    %get3A_232 = vector.load %arg3[%get3A_227, %get3A_228, %get3A_229, %get3A_230, %get3A_231] : memref<16x1x16x32x32xf32, #tpu.memory_space<vmem>>, vector<1x1x16x32x32xf32>
    %get3A_233 = vector.shape_cast %get3A_232 : vector<1x1x16x32x32xf32> to vector<16x32x32xf32>
    %reshape3A_234 = vector.shape_cast %get3A_233 : vector<16x32x32xf32> to vector<16x1024xf32>
    %sub3A_235 = arith.subf %convert_element_type3A_213, %reshape3A_234 : vector<16x1024xf32>
    %sub3A_236 = arith.subf %sub3A_235, %add3A_196 : vector<16x1024xf32>
    %div3A_237 = arith.constant 2.000000e+00 : f32
    %div3A_238 = vector.broadcast %div3A_237 : f32 to vector<16x1024xf32>
    %div3A_239 = arith.divf %sub3A_236, %div3A_238 : vector<16x1024xf32>
    %add3A_240 = arith.addf %add3A_196, %div3A_239 : vector<16x1024xf32>
    %mul3A_241 = arith.mulf %add3A_240, %add3A_240 : vector<16x1024xf32>
    %reduce_sum3A_242 = vector.shape_cast %mul3A_241 : vector<16x1024xf32> to vector<1x16x1024xf32>
    %reduce_sum3A_243 = arith.constant dense<0.000000e+00> : vector<1xf32>
    %reduce_sum3A_244 = vector.multi_reduction <add>, %reduce_sum3A_242, %reduce_sum3A_243 [1, 2] : vector<1x16x1024xf32> to vector<1xf32>
    %reduce_sum3A_245 = vector.shape_cast %reduce_sum3A_244 : vector<1xf32> to vector<1x1x1xf32>
    %reduce_sum3A_246 = vector.extract %reduce_sum3A_245[0, 0, 0] : f32 from vector<1x1x1xf32>
    %add3A_247 = arith.addf %add3A_203, %reduce_sum3A_246 : f32
    %sub3A_248 = arith.subf %add3A_69, %mul3A_217 : vector<16x1024xf32>
    %div3A_249 = arith.constant 2.000000e+00 : f32
    %div3A_250 = vector.broadcast %div3A_249 : f32 to vector<16x1024xf32>
    %div3A_251 = arith.divf %sub3A_248, %div3A_250 : vector<16x1024xf32>
    %add3A_252 = arith.addf %mul3A_217, %div3A_251 : vector<16x1024xf32>
    %ge3A_253 = arith.constant 1.000000e+00 : f32
    %ge3A_254 = vector.broadcast %ge3A_253 : f32 to vector<16x1024xf32>
    %ge3A_255 = arith.cmpf oge, %add3A_252, %ge3A_254 : vector<16x1024xf32>
    %convert_element_type3A_256 = arith.extui %ge3A_255 : vector<16x1024xi1> to vector<16x1024xi32>
    %convert_element_type3A_257 = arith.sitofp %convert_element_type3A_256 : vector<16x1024xi32> to vector<16x1024xf32>
    %sub3A_258 = arith.constant 1.000000e+00 : f32
    %sub3A_259 = vector.broadcast %sub3A_258 : f32 to vector<16x1024xf32>
    %sub3A_260 = arith.subf %sub3A_259, %convert_element_type3A_257 : vector<16x1024xf32>
    %mul3A_261 = arith.mulf %add3A_252, %sub3A_260 : vector<16x1024xf32>
    %reshape3A_262 = vector.shape_cast %convert_element_type3A_257 : vector<16x1024xf32> to vector<16x32x32xf32>
    %swap3A_263 = arith.constant 4 : index
    %swap3A_264 = arith.constant 0 : index
    %swap3A_265 = arith.constant 0 : index
    %swap3A_266 = arith.constant 0 : index
    %swap3A_267 = arith.constant 0 : index
    %swap3A_268 = vector.load %arg10[%swap3A_263, %swap3A_264, %swap3A_265, %swap3A_266, %swap3A_267] : memref<16x1x16x32x32xf32, #tpu.memory_space<vmem>>, vector<1x1x16x32x32xf32>
    %swap3A_269 = vector.shape_cast %swap3A_268 : vector<1x1x16x32x32xf32> to vector<16x32x32xf32>
    %swap3A_270 = vector.shape_cast %reshape3A_262 : vector<16x32x32xf32> to vector<1x1x16x32x32xf32>
    tpu.vector_store %arg10[%swap3A_263, %swap3A_264, %swap3A_265, %swap3A_266, %swap3A_267], %swap3A_270 {strides = array<i32>} : memref<16x1x16x32x32xf32, #tpu.memory_space<vmem>>, vector<1x1x16x32x32xf32>,
    %get3A_271 = arith.constant 4 : index
    %get3A_272 = arith.constant 0 : index
    %get3A_273 = arith.constant 0 : index
    %get3A_274 = arith.constant 0 : index
    %get3A_275 = arith.constant 0 : index
    %get3A_276 = vector.load %arg3[%get3A_271, %get3A_272, %get3A_273, %get3A_274, %get3A_275] : memref<16x1x16x32x32xf32, #tpu.memory_space<vmem>>, vector<1x1x16x32x32xf32>
    %get3A_277 = vector.shape_cast %get3A_276 : vector<1x1x16x32x32xf32> to vector<16x32x32xf32>
    %reshape3A_278 = vector.shape_cast %get3A_277 : vector<16x32x32xf32> to vector<16x1024xf32>
    %sub3A_279 = arith.subf %convert_element_type3A_257, %reshape3A_278 : vector<16x1024xf32>
    %sub3A_280 = arith.subf %sub3A_279, %add3A_240 : vector<16x1024xf32>
    %div3A_281 = arith.constant 2.000000e+00 : f32
    %div3A_282 = vector.broadcast %div3A_281 : f32 to vector<16x1024xf32>
    %div3A_283 = arith.divf %sub3A_280, %div3A_282 : vector<16x1024xf32>
    %add3A_284 = arith.addf %add3A_240, %div3A_283 : vector<16x1024xf32>
    %mul3A_285 = arith.mulf %add3A_284, %add3A_284 : vector<16x1024xf32>
    %reduce_sum3A_286 = vector.shape_cast %mul3A_285 : vector<16x1024xf32> to vector<1x16x1024xf32>
    %reduce_sum3A_287 = arith.constant dense<0.000000e+00> : vector<1xf32>
    %reduce_sum3A_288 = vector.multi_reduction <add>, %reduce_sum3A_286, %reduce_sum3A_287 [1, 2] : vector<1x16x1024xf32> to vector<1xf32>
    %reduce_sum3A_289 = vector.shape_cast %reduce_sum3A_288 : vector<1xf32> to vector<1x1x1xf32>
    %reduce_sum3A_290 = vector.extract %reduce_sum3A_289[0, 0, 0] : f32 from vector<1x1x1xf32>
    %add3A_291 = arith.addf %add3A_247, %reduce_sum3A_290 : f32
    %sub3A_292 = arith.subf %add3A_69, %mul3A_261 : vector<16x1024xf32>
    %div3A_293 = arith.constant 2.000000e+00 : f32
    %div3A_294 = vector.broadcast %div3A_293 : f32 to vector<16x1024xf32>
    %div3A_295 = arith.divf %sub3A_292, %div3A_294 : vector<16x1024xf32>
    %add3A_296 = arith.addf %mul3A_261, %div3A_295 : vector<16x1024xf32>
    %ge3A_297 = arith.constant 1.000000e+00 : f32
    %ge3A_298 = vector.broadcast %ge3A_297 : f32 to vector<16x1024xf32>
    %ge3A_299 = arith.cmpf oge, %add3A_296, %ge3A_298 : vector<16x1024xf32>
    %convert_element_type3A_300 = arith.extui %ge3A_299 : vector<16x1024xi1> to vector<16x1024xi32>
    %convert_element_type3A_301 = arith.sitofp %convert_element_type3A_300 : vector<16x1024xi32> to vector<16x1024xf32>
    %sub3A_302 = arith.constant 1.000000e+00 : f32
    %sub3A_303 = vector.broadcast %sub3A_302 : f32 to vector<16x1024xf32>
    %sub3A_304 = arith.subf %sub3A_303, %convert_element_type3A_301 : vector<16x1024xf32>
    %mul3A_305 = arith.mulf %add3A_296, %sub3A_304 : vector<16x1024xf32>
    %reshape3A_306 = vector.shape_cast %convert_element_type3A_301 : vector<16x1024xf32> to vector<16x32x32xf32>
    %swap3A_307 = arith.constant 5 : index
    %swap3A_308 = arith.constant 0 : index
    %swap3A_309 = arith.constant 0 : index
    %swap3A_310 = arith.constant 0 : index
    %swap3A_311 = arith.constant 0 : index
    %swap3A_312 = vector.load %arg10[%swap3A_307, %swap3A_308, %swap3A_309, %swap3A_310, %swap3A_311] : memref<16x1x16x32x32xf32, #tpu.memory_space<vmem>>, vector<1x1x16x32x32xf32>
    %swap3A_313 = vector.shape_cast %swap3A_312 : vector<1x1x16x32x32xf32> to vector<16x32x32xf32>
    %swap3A_314 = vector.shape_cast %reshape3A_306 : vector<16x32x32xf32> to vector<1x1x16x32x32xf32>
    tpu.vector_store %arg10[%swap3A_307, %swap3A_308, %swap3A_309, %swap3A_310, %swap3A_311], %swap3A_314 {strides = array<i32>} : memref<16x1x16x32x32xf32, #tpu.memory_space<vmem>>, vector<1x1x16x32x32xf32>,
    %get3A_315 = arith.constant 5 : index
    %get3A_316 = arith.constant 0 : index
    %get3A_317 = arith.constant 0 : index
    %get3A_318 = arith.constant 0 : index
    %get3A_319 = arith.constant 0 : index
    %get3A_320 = vector.load %arg3[%get3A_315, %get3A_316, %get3A_317, %get3A_318, %get3A_319] : memref<16x1x16x32x32xf32, #tpu.memory_space<vmem>>, vector<1x1x16x32x32xf32>
    %get3A_321 = vector.shape_cast %get3A_320 : vector<1x1x16x32x32xf32> to vector<16x32x32xf32>
    %reshape3A_322 = vector.shape_cast %get3A_321 : vector<16x32x32xf32> to vector<16x1024xf32>
    %sub3A_323 = arith.subf %convert_element_type3A_301, %reshape3A_322 : vector<16x1024xf32>
    %sub3A_324 = arith.subf %sub3A_323, %add3A_284 : vector<16x1024xf32>
    %div3A_325 = arith.constant 2.000000e+00 : f32
    %div3A_326 = vector.broadcast %div3A_325 : f32 to vector<16x1024xf32>
    %div3A_327 = arith.divf %sub3A_324, %div3A_326 : vector<16x1024xf32>
    %add3A_328 = arith.addf %add3A_284, %div3A_327 : vector<16x1024xf32>
    %mul3A_329 = arith.mulf %add3A_328, %add3A_328 : vector<16x1024xf32>
    %reduce_sum3A_330 = vector.shape_cast %mul3A_329 : vector<16x1024xf32> to vector<1x16x1024xf32>
    %reduce_sum3A_331 = arith.constant dense<0.000000e+00> : vector<1xf32>
    %reduce_sum3A_332 = vector.multi_reduction <add>, %reduce_sum3A_330, %reduce_sum3A_331 [1, 2] : vector<1x16x1024xf32> to vector<1xf32>
    %reduce_sum3A_333 = vector.shape_cast %reduce_sum3A_332 : vector<1xf32> to vector<1x1x1xf32>
    %reduce_sum3A_334 = vector.extract %reduce_sum3A_333[0, 0, 0] : f32 from vector<1x1x1xf32>
    %add3A_335 = arith.addf %add3A_291, %reduce_sum3A_334 : f32
    %sub3A_336 = arith.subf %add3A_69, %mul3A_305 : vector<16x1024xf32>
    %div3A_337 = arith.constant 2.000000e+00 : f32
    %div3A_338 = vector.broadcast %div3A_337 : f32 to vector<16x1024xf32>
    %div3A_339 = arith.divf %sub3A_336, %div3A_338 : vector<16x1024xf32>
    %add3A_340 = arith.addf %mul3A_305, %div3A_339 : vector<16x1024xf32>
    %ge3A_341 = arith.constant 1.000000e+00 : f32
    %ge3A_342 = vector.broadcast %ge3A_341 : f32 to vector<16x1024xf32>
    %ge3A_343 = arith.cmpf oge, %add3A_340, %ge3A_342 : vector<16x1024xf32>
    %convert_element_type3A_344 = arith.extui %ge3A_343 : vector<16x1024xi1> to vector<16x1024xi32>
    %convert_element_type3A_345 = arith.sitofp %convert_element_type3A_344 : vector<16x1024xi32> to vector<16x1024xf32>
    %sub3A_346 = arith.constant 1.000000e+00 : f32
    %sub3A_347 = vector.broadcast %sub3A_346 : f32 to vector<16x1024xf32>
    %sub3A_348 = arith.subf %sub3A_347, %convert_element_type3A_345 : vector<16x1024xf32>
    %mul3A_349 = arith.mulf %add3A_340, %sub3A_348 : vector<16x1024xf32>
    %reshape3A_350 = vector.shape_cast %convert_element_type3A_345 : vector<16x1024xf32> to vector<16x32x32xf32>
    %swap3A_351 = arith.constant 6 : index
    %swap3A_352 = arith.constant 0 : index
    %swap3A_353 = arith.constant 0 : index
    %swap3A_354 = arith.constant 0 : index
    %swap3A_355 = arith.constant 0 : index
    %swap3A_356 = vector.load %arg10[%swap3A_351, %swap3A_352, %swap3A_353, %swap3A_354, %swap3A_355] : memref<16x1x16x32x32xf32, #tpu.memory_space<vmem>>, vector<1x1x16x32x32xf32>
    %swap3A_357 = vector.shape_cast %swap3A_356 : vector<1x1x16x32x32xf32> to vector<16x32x32xf32>
    %swap3A_358 = vector.shape_cast %reshape3A_350 : vector<16x32x32xf32> to vector<1x1x16x32x32xf32>
    tpu.vector_store %arg10[%swap3A_351, %swap3A_352, %swap3A_353, %swap3A_354, %swap3A_355], %swap3A_358 {strides = array<i32>} : memref<16x1x16x32x32xf32, #tpu.memory_space<vmem>>, vector<1x1x16x32x32xf32>,
    %get3A_359 = arith.constant 6 : index
    %get3A_360 = arith.constant 0 : index
    %get3A_361 = arith.constant 0 : index
    %get3A_362 = arith.constant 0 : index
    %get3A_363 = arith.constant 0 : index
    %get3A_364 = vector.load %arg3[%get3A_359, %get3A_360, %get3A_361, %get3A_362, %get3A_363] : memref<16x1x16x32x32xf32, #tpu.memory_space<vmem>>, vector<1x1x16x32x32xf32>
    %get3A_365 = vector.shape_cast %get3A_364 : vector<1x1x16x32x32xf32> to vector<16x32x32xf32>
    %reshape3A_366 = vector.shape_cast %get3A_365 : vector<16x32x32xf32> to vector<16x1024xf32>
    %sub3A_367 = arith.subf %convert_element_type3A_345, %reshape3A_366 : vector<16x1024xf32>
    %sub3A_368 = arith.subf %sub3A_367, %add3A_328 : vector<16x1024xf32>
    %div3A_369 = arith.constant 2.000000e+00 : f32
    %div3A_370 = vector.broadcast %div3A_369 : f32 to vector<16x1024xf32>
    %div3A_371 = arith.divf %sub3A_368, %div3A_370 : vector<16x1024xf32>
    %add3A_372 = arith.addf %add3A_328, %div3A_371 : vector<16x1024xf32>
    %mul3A_373 = arith.mulf %add3A_372, %add3A_372 : vector<16x1024xf32>
    %reduce_sum3A_374 = vector.shape_cast %mul3A_373 : vector<16x1024xf32> to vector<1x16x1024xf32>
    %reduce_sum3A_375 = arith.constant dense<0.000000e+00> : vector<1xf32>
    %reduce_sum3A_376 = vector.multi_reduction <add>, %reduce_sum3A_374, %reduce_sum3A_375 [1, 2] : vector<1x16x1024xf32> to vector<1xf32>
    %reduce_sum3A_377 = vector.shape_cast %reduce_sum3A_376 : vector<1xf32> to vector<1x1x1xf32>
    %reduce_sum3A_378 = vector.extract %reduce_sum3A_377[0, 0, 0] : f32 from vector<1x1x1xf32>
    %add3A_379 = arith.addf %add3A_335, %reduce_sum3A_378 : f32
    %sub3A_380 = arith.subf %add3A_69, %mul3A_349 : vector<16x1024xf32>
    %div3A_381 = arith.constant 2.000000e+00 : f32
    %div3A_382 = vector.broadcast %div3A_381 : f32 to vector<16x1024xf32>
    %div3A_383 = arith.divf %sub3A_380, %div3A_382 : vector<16x1024xf32>
    %add3A_384 = arith.addf %mul3A_349, %div3A_383 : vector<16x1024xf32>
    %ge3A_385 = arith.constant 1.000000e+00 : f32
    %ge3A_386 = vector.broadcast %ge3A_385 : f32 to vector<16x1024xf32>
    %ge3A_387 = arith.cmpf oge, %add3A_384, %ge3A_386 : vector<16x1024xf32>
    %convert_element_type3A_388 = arith.extui %ge3A_387 : vector<16x1024xi1> to vector<16x1024xi32>
    %convert_element_type3A_389 = arith.sitofp %convert_element_type3A_388 : vector<16x1024xi32> to vector<16x1024xf32>
    %sub3A_390 = arith.constant 1.000000e+00 : f32
    %sub3A_391 = vector.broadcast %sub3A_390 : f32 to vector<16x1024xf32>
    %sub3A_392 = arith.subf %sub3A_391, %convert_element_type3A_389 : vector<16x1024xf32>
    %mul3A_393 = arith.mulf %add3A_384, %sub3A_392 : vector<16x1024xf32>
    %reshape3A_394 = vector.shape_cast %convert_element_type3A_389 : vector<16x1024xf32> to vector<16x32x32xf32>
    %swap3A_395 = arith.constant 7 : index
    %swap3A_396 = arith.constant 0 : index
    %swap3A_397 = arith.constant 0 : index
    %swap3A_398 = arith.constant 0 : index
    %swap3A_399 = arith.constant 0 : index
    %swap3A_400 = vector.load %arg10[%swap3A_395, %swap3A_396, %swap3A_397, %swap3A_398, %swap3A_399] : memref<16x1x16x32x32xf32, #tpu.memory_space<vmem>>, vector<1x1x16x32x32xf32>
    %swap3A_401 = vector.shape_cast %swap3A_400 : vector<1x1x16x32x32xf32> to vector<16x32x32xf32>
    %swap3A_402 = vector.shape_cast %reshape3A_394 : vector<16x32x32xf32> to vector<1x1x16x32x32xf32>
    tpu.vector_store %arg10[%swap3A_395, %swap3A_396, %swap3A_397, %swap3A_398, %swap3A_399], %swap3A_402 {strides = array<i32>} : memref<16x1x16x32x32xf32, #tpu.memory_space<vmem>>, vector<1x1x16x32x32xf32>,
    %get3A_403 = arith.constant 7 : index
    %get3A_404 = arith.constant 0 : index
    %get3A_405 = arith.constant 0 : index
    %get3A_406 = arith.constant 0 : index
    %get3A_407 = arith.constant 0 : index
    %get3A_408 = vector.load %arg3[%get3A_403, %get3A_404, %get3A_405, %get3A_406, %get3A_407] : memref<16x1x16x32x32xf32, #tpu.memory_space<vmem>>, vector<1x1x16x32x32xf32>
    %get3A_409 = vector.shape_cast %get3A_408 : vector<1x1x16x32x32xf32> to vector<16x32x32xf32>
    %reshape3A_410 = vector.shape_cast %get3A_409 : vector<16x32x32xf32> to vector<16x1024xf32>
    %sub3A_411 = arith.subf %convert_element_type3A_389, %reshape3A_410 : vector<16x1024xf32>
    %sub3A_412 = arith.subf %sub3A_411, %add3A_372 : vector<16x1024xf32>
    %div3A_413 = arith.constant 2.000000e+00 : f32
    %div3A_414 = vector.broadcast %div3A_413 : f32 to vector<16x1024xf32>
    %div3A_415 = arith.divf %sub3A_412, %div3A_414 : vector<16x1024xf32>
    %add3A_416 = arith.addf %add3A_372, %div3A_415 : vector<16x1024xf32>
    %mul3A_417 = arith.mulf %add3A_416, %add3A_416 : vector<16x1024xf32>
    %reduce_sum3A_418 = vector.shape_cast %mul3A_417 : vector<16x1024xf32> to vector<1x16x1024xf32>
    %reduce_sum3A_419 = arith.constant dense<0.000000e+00> : vector<1xf32>
    %reduce_sum3A_420 = vector.multi_reduction <add>, %reduce_sum3A_418, %reduce_sum3A_419 [1, 2] : vector<1x16x1024xf32> to vector<1xf32>
    %reduce_sum3A_421 = vector.shape_cast %reduce_sum3A_420 : vector<1xf32> to vector<1x1x1xf32>
    %reduce_sum3A_422 = vector.extract %reduce_sum3A_421[0, 0, 0] : f32 from vector<1x1x1xf32>
    %add3A_423 = arith.addf %add3A_379, %reduce_sum3A_422 : f32
    %sub3A_424 = arith.subf %add3A_69, %mul3A_393 : vector<16x1024xf32>
    %div3A_425 = arith.constant 2.000000e+00 : f32
    %div3A_426 = vector.broadcast %div3A_425 : f32 to vector<16x1024xf32>
    %div3A_427 = arith.divf %sub3A_424, %div3A_426 : vector<16x1024xf32>
    %add3A_428 = arith.addf %mul3A_393, %div3A_427 : vector<16x1024xf32>
    %ge3A_429 = arith.constant 1.000000e+00 : f32
    %ge3A_430 = vector.broadcast %ge3A_429 : f32 to vector<16x1024xf32>
    %ge3A_431 = arith.cmpf oge, %add3A_428, %ge3A_430 : vector<16x1024xf32>
    %convert_element_type3A_432 = arith.extui %ge3A_431 : vector<16x1024xi1> to vector<16x1024xi32>
    %convert_element_type3A_433 = arith.sitofp %convert_element_type3A_432 : vector<16x1024xi32> to vector<16x1024xf32>
    %sub3A_434 = arith.constant 1.000000e+00 : f32
    %sub3A_435 = vector.broadcast %sub3A_434 : f32 to vector<16x1024xf32>
    %sub3A_436 = arith.subf %sub3A_435, %convert_element_type3A_433 : vector<16x1024xf32>
    %mul3A_437 = arith.mulf %add3A_428, %sub3A_436 : vector<16x1024xf32>
    %reshape3A_438 = vector.shape_cast %convert_element_type3A_433 : vector<16x1024xf32> to vector<16x32x32xf32>
    %swap3A_439 = arith.constant 8 : index
    %swap3A_440 = arith.constant 0 : index
    %swap3A_441 = arith.constant 0 : index
    %swap3A_442 = arith.constant 0 : index
    %swap3A_443 = arith.constant 0 : index
    %swap3A_444 = vector.load %arg10[%swap3A_439, %swap3A_440, %swap3A_441, %swap3A_442, %swap3A_443] : memref<16x1x16x32x32xf32, #tpu.memory_space<vmem>>, vector<1x1x16x32x32xf32>
    %swap3A_445 = vector.shape_cast %swap3A_444 : vector<1x1x16x32x32xf32> to vector<16x32x32xf32>
    %swap3A_446 = vector.shape_cast %reshape3A_438 : vector<16x32x32xf32> to vector<1x1x16x32x32xf32>
    tpu.vector_store %arg10[%swap3A_439, %swap3A_440, %swap3A_441, %swap3A_442, %swap3A_443], %swap3A_446 {strides = array<i32>} : memref<16x1x16x32x32xf32, #tpu.memory_space<vmem>>, vector<1x1x16x32x32xf32>,
    %get3A_447 = arith.constant 8 : index
    %get3A_448 = arith.constant 0 : index
    %get3A_449 = arith.constant 0 : index
    %get3A_450 = arith.constant 0 : index
    %get3A_451 = arith.constant 0 : index
    %get3A_452 = vector.load %arg3[%get3A_447, %get3A_448, %get3A_449, %get3A_450, %get3A_451] : memref<16x1x16x32x32xf32, #tpu.memory_space<vmem>>, vector<1x1x16x32x32xf32>
    %get3A_453 = vector.shape_cast %get3A_452 : vector<1x1x16x32x32xf32> to vector<16x32x32xf32>
    %reshape3A_454 = vector.shape_cast %get3A_453 : vector<16x32x32xf32> to vector<16x1024xf32>
    %sub3A_455 = arith.subf %convert_element_type3A_433, %reshape3A_454 : vector<16x1024xf32>
    %sub3A_456 = arith.subf %sub3A_455, %add3A_416 : vector<16x1024xf32>
    %div3A_457 = arith.constant 2.000000e+00 : f32
    %div3A_458 = vector.broadcast %div3A_457 : f32 to vector<16x1024xf32>
    %div3A_459 = arith.divf %sub3A_456, %div3A_458 : vector<16x1024xf32>
    %add3A_460 = arith.addf %add3A_416, %div3A_459 : vector<16x1024xf32>
    %mul3A_461 = arith.mulf %add3A_460, %add3A_460 : vector<16x1024xf32>
    %reduce_sum3A_462 = vector.shape_cast %mul3A_461 : vector<16x1024xf32> to vector<1x16x1024xf32>
    %reduce_sum3A_463 = arith.constant dense<0.000000e+00> : vector<1xf32>
    %reduce_sum3A_464 = vector.multi_reduction <add>, %reduce_sum3A_462, %reduce_sum3A_463 [1, 2] : vector<1x16x1024xf32> to vector<1xf32>
    %reduce_sum3A_465 = vector.shape_cast %reduce_sum3A_464 : vector<1xf32> to vector<1x1x1xf32>
    %reduce_sum3A_466 = vector.extract %reduce_sum3A_465[0, 0, 0] : f32 from vector<1x1x1xf32>
    %add3A_467 = arith.addf %add3A_423, %reduce_sum3A_466 : f32
    %sub3A_468 = arith.subf %add3A_69, %mul3A_437 : vector<16x1024xf32>
    %div3A_469 = arith.constant 2.000000e+00 : f32
    %div3A_470 = vector.broadcast %div3A_469 : f32 to vector<16x1024xf32>
    %div3A_471 = arith.divf %sub3A_468, %div3A_470 : vector<16x1024xf32>
    %add3A_472 = arith.addf %mul3A_437, %div3A_471 : vector<16x1024xf32>
    %ge3A_473 = arith.constant 1.000000e+00 : f32
    %ge3A_474 = vector.broadcast %ge3A_473 : f32 to vector<16x1024xf32>
    %ge3A_475 = arith.cmpf oge, %add3A_472, %ge3A_474 : vector<16x1024xf32>
    %convert_element_type3A_476 = arith.extui %ge3A_475 : vector<16x1024xi1> to vector<16x1024xi32>
    %convert_element_type3A_477 = arith.sitofp %convert_element_type3A_476 : vector<16x1024xi32> to vector<16x1024xf32>
    %sub3A_478 = arith.constant 1.000000e+00 : f32
    %sub3A_479 = vector.broadcast %sub3A_478 : f32 to vector<16x1024xf32>
    %sub3A_480 = arith.subf %sub3A_479, %convert_element_type3A_477 : vector<16x1024xf32>
    %mul3A_481 = arith.mulf %add3A_472, %sub3A_480 : vector<16x1024xf32>
    %reshape3A_482 = vector.shape_cast %convert_element_type3A_477 : vector<16x1024xf32> to vector<16x32x32xf32>
    %swap3A_483 = arith.constant 9 : index
    %swap3A_484 = arith.constant 0 : index
    %swap3A_485 = arith.constant 0 : index
    %swap3A_486 = arith.constant 0 : index
    %swap3A_487 = arith.constant 0 : index
    %swap3A_488 = vector.load %arg10[%swap3A_483, %swap3A_484, %swap3A_485, %swap3A_486, %swap3A_487] : memref<16x1x16x32x32xf32, #tpu.memory_space<vmem>>, vector<1x1x16x32x32xf32>
    %swap3A_489 = vector.shape_cast %swap3A_488 : vector<1x1x16x32x32xf32> to vector<16x32x32xf32>
    %swap3A_490 = vector.shape_cast %reshape3A_482 : vector<16x32x32xf32> to vector<1x1x16x32x32xf32>
    tpu.vector_store %arg10[%swap3A_483, %swap3A_484, %swap3A_485, %swap3A_486, %swap3A_487], %swap3A_490 {strides = array<i32>} : memref<16x1x16x32x32xf32, #tpu.memory_space<vmem>>, vector<1x1x16x32x32xf32>,
    %get3A_491 = arith.constant 9 : index
    %get3A_492 = arith.constant 0 : index
    %get3A_493 = arith.constant 0 : index
    %get3A_494 = arith.constant 0 : index
    %get3A_495 = arith.constant 0 : index
    %get3A_496 = vector.load %arg3[%get3A_491, %get3A_492, %get3A_493, %get3A_494, %get3A_495] : memref<16x1x16x32x32xf32, #tpu.memory_space<vmem>>, vector<1x1x16x32x32xf32>
    %get3A_497 = vector.shape_cast %get3A_496 : vector<1x1x16x32x32xf32> to vector<16x32x32xf32>
    %reshape3A_498 = vector.shape_cast %get3A_497 : vector<16x32x32xf32> to vector<16x1024xf32>
    %sub3A_499 = arith.subf %convert_element_type3A_477, %reshape3A_498 : vector<16x1024xf32>
    %sub3A_500 = arith.subf %sub3A_499, %add3A_460 : vector<16x1024xf32>
    %div3A_501 = arith.constant 2.000000e+00 : f32
    %div3A_502 = vector.broadcast %div3A_501 : f32 to vector<16x1024xf32>
    %div3A_503 = arith.divf %sub3A_500, %div3A_502 : vector<16x1024xf32>
    %add3A_504 = arith.addf %add3A_460, %div3A_503 : vector<16x1024xf32>
    %mul3A_505 = arith.mulf %add3A_504, %add3A_504 : vector<16x1024xf32>
    %reduce_sum3A_506 = vector.shape_cast %mul3A_505 : vector<16x1024xf32> to vector<1x16x1024xf32>
    %reduce_sum3A_507 = arith.constant dense<0.000000e+00> : vector<1xf32>
    %reduce_sum3A_508 = vector.multi_reduction <add>, %reduce_sum3A_506, %reduce_sum3A_507 [1, 2] : vector<1x16x1024xf32> to vector<1xf32>
    %reduce_sum3A_509 = vector.shape_cast %reduce_sum3A_508 : vector<1xf32> to vector<1x1x1xf32>
    %reduce_sum3A_510 = vector.extract %reduce_sum3A_509[0, 0, 0] : f32 from vector<1x1x1xf32>
    %add3A_511 = arith.addf %add3A_467, %reduce_sum3A_510 : f32
    %sub3A_512 = arith.subf %add3A_69, %mul3A_481 : vector<16x1024xf32>
    %div3A_513 = arith.constant 2.000000e+00 : f32
    %div3A_514 = vector.broadcast %div3A_513 : f32 to vector<16x1024xf32>
    %div3A_515 = arith.divf %sub3A_512, %div3A_514 : vector<16x1024xf32>
    %add3A_516 = arith.addf %mul3A_481, %div3A_515 : vector<16x1024xf32>
    %ge3A_517 = arith.constant 1.000000e+00 : f32
    %ge3A_518 = vector.broadcast %ge3A_517 : f32 to vector<16x1024xf32>
    %ge3A_519 = arith.cmpf oge, %add3A_516, %ge3A_518 : vector<16x1024xf32>
    %convert_element_type3A_520 = arith.extui %ge3A_519 : vector<16x1024xi1> to vector<16x1024xi32>
    %convert_element_type3A_521 = arith.sitofp %convert_element_type3A_520 : vector<16x1024xi32> to vector<16x1024xf32>
    %sub3A_522 = arith.constant 1.000000e+00 : f32
    %sub3A_523 = vector.broadcast %sub3A_522 : f32 to vector<16x1024xf32>
    %sub3A_524 = arith.subf %sub3A_523, %convert_element_type3A_521 : vector<16x1024xf32>
    %mul3A_525 = arith.mulf %add3A_516, %sub3A_524 : vector<16x1024xf32>
    %reshape3A_526 = vector.shape_cast %convert_element_type3A_521 : vector<16x1024xf32> to vector<16x32x32xf32>
    %swap3A_527 = arith.constant 10 : index
    %swap3A_528 = arith.constant 0 : index
    %swap3A_529 = arith.constant 0 : index
    %swap3A_530 = arith.constant 0 : index
    %swap3A_531 = arith.constant 0 : index
    %swap3A_532 = vector.load %arg10[%swap3A_527, %swap3A_528, %swap3A_529, %swap3A_530, %swap3A_531] : memref<16x1x16x32x32xf32, #tpu.memory_space<vmem>>, vector<1x1x16x32x32xf32>
    %swap3A_533 = vector.shape_cast %swap3A_532 : vector<1x1x16x32x32xf32> to vector<16x32x32xf32>
    %swap3A_534 = vector.shape_cast %reshape3A_526 : vector<16x32x32xf32> to vector<1x1x16x32x32xf32>
    tpu.vector_store %arg10[%swap3A_527, %swap3A_528, %swap3A_529, %swap3A_530, %swap3A_531], %swap3A_534 {strides = array<i32>} : memref<16x1x16x32x32xf32, #tpu.memory_space<vmem>>, vector<1x1x16x32x32xf32>,
    %get3A_535 = arith.constant 10 : index
    %get3A_536 = arith.constant 0 : index
    %get3A_537 = arith.constant 0 : index
    %get3A_538 = arith.constant 0 : index
    %get3A_539 = arith.constant 0 : index
    %get3A_540 = vector.load %arg3[%get3A_535, %get3A_536, %get3A_537, %get3A_538, %get3A_539] : memref<16x1x16x32x32xf32, #tpu.memory_space<vmem>>, vector<1x1x16x32x32xf32>
    %get3A_541 = vector.shape_cast %get3A_540 : vector<1x1x16x32x32xf32> to vector<16x32x32xf32>
    %reshape3A_542 = vector.shape_cast %get3A_541 : vector<16x32x32xf32> to vector<16x1024xf32>
    %sub3A_543 = arith.subf %convert_element_type3A_521, %reshape3A_542 : vector<16x1024xf32>
    %sub3A_544 = arith.subf %sub3A_543, %add3A_504 : vector<16x1024xf32>
    %div3A_545 = arith.constant 2.000000e+00 : f32
    %div3A_546 = vector.broadcast %div3A_545 : f32 to vector<16x1024xf32>
    %div3A_547 = arith.divf %sub3A_544, %div3A_546 : vector<16x1024xf32>
    %add3A_548 = arith.addf %add3A_504, %div3A_547 : vector<16x1024xf32>
    %mul3A_549 = arith.mulf %add3A_548, %add3A_548 : vector<16x1024xf32>
    %reduce_sum3A_550 = vector.shape_cast %mul3A_549 : vector<16x1024xf32> to vector<1x16x1024xf32>
    %reduce_sum3A_551 = arith.constant dense<0.000000e+00> : vector<1xf32>
    %reduce_sum3A_552 = vector.multi_reduction <add>, %reduce_sum3A_550, %reduce_sum3A_551 [1, 2] : vector<1x16x1024xf32> to vector<1xf32>
    %reduce_sum3A_553 = vector.shape_cast %reduce_sum3A_552 : vector<1xf32> to vector<1x1x1xf32>
    %reduce_sum3A_554 = vector.extract %reduce_sum3A_553[0, 0, 0] : f32 from vector<1x1x1xf32>
    %add3A_555 = arith.addf %add3A_511, %reduce_sum3A_554 : f32
    %sub3A_556 = arith.subf %add3A_69, %mul3A_525 : vector<16x1024xf32>
    %div3A_557 = arith.constant 2.000000e+00 : f32
    %div3A_558 = vector.broadcast %div3A_557 : f32 to vector<16x1024xf32>
    %div3A_559 = arith.divf %sub3A_556, %div3A_558 : vector<16x1024xf32>
    %add3A_560 = arith.addf %mul3A_525, %div3A_559 : vector<16x1024xf32>
    %ge3A_561 = arith.constant 1.000000e+00 : f32
    %ge3A_562 = vector.broadcast %ge3A_561 : f32 to vector<16x1024xf32>
    %ge3A_563 = arith.cmpf oge, %add3A_560, %ge3A_562 : vector<16x1024xf32>
    %convert_element_type3A_564 = arith.extui %ge3A_563 : vector<16x1024xi1> to vector<16x1024xi32>
    %convert_element_type3A_565 = arith.sitofp %convert_element_type3A_564 : vector<16x1024xi32> to vector<16x1024xf32>
    %sub3A_566 = arith.constant 1.000000e+00 : f32
    %sub3A_567 = vector.broadcast %sub3A_566 : f32 to vector<16x1024xf32>
    %sub3A_568 = arith.subf %sub3A_567, %convert_element_type3A_565 : vector<16x1024xf32>
    %mul3A_569 = arith.mulf %add3A_560, %sub3A_568 : vector<16x1024xf32>
    %reshape3A_570 = vector.shape_cast %convert_element_type3A_565 : vector<16x1024xf32> to vector<16x32x32xf32>
    %swap3A_571 = arith.constant 11 : index
    %swap3A_572 = arith.constant 0 : index
    %swap3A_573 = arith.constant 0 : index
    %swap3A_574 = arith.constant 0 : index
    %swap3A_575 = arith.constant 0 : index
    %swap3A_576 = vector.load %arg10[%swap3A_571, %swap3A_572, %swap3A_573, %swap3A_574, %swap3A_575] : memref<16x1x16x32x32xf32, #tpu.memory_space<vmem>>, vector<1x1x16x32x32xf32>
    %swap3A_577 = vector.shape_cast %swap3A_576 : vector<1x1x16x32x32xf32> to vector<16x32x32xf32>
    %swap3A_578 = vector.shape_cast %reshape3A_570 : vector<16x32x32xf32> to vector<1x1x16x32x32xf32>
    tpu.vector_store %arg10[%swap3A_571, %swap3A_572, %swap3A_573, %swap3A_574, %swap3A_575], %swap3A_578 {strides = array<i32>} : memref<16x1x16x32x32xf32, #tpu.memory_space<vmem>>, vector<1x1x16x32x32xf32>,
    %get3A_579 = arith.constant 11 : index
    %get3A_580 = arith.constant 0 : index
    %get3A_581 = arith.constant 0 : index
    %get3A_582 = arith.constant 0 : index
    %get3A_583 = arith.constant 0 : index
    %get3A_584 = vector.load %arg3[%get3A_579, %get3A_580, %get3A_581, %get3A_582, %get3A_583] : memref<16x1x16x32x32xf32, #tpu.memory_space<vmem>>, vector<1x1x16x32x32xf32>
    %get3A_585 = vector.shape_cast %get3A_584 : vector<1x1x16x32x32xf32> to vector<16x32x32xf32>
    %reshape3A_586 = vector.shape_cast %get3A_585 : vector<16x32x32xf32> to vector<16x1024xf32>
    %sub3A_587 = arith.subf %convert_element_type3A_565, %reshape3A_586 : vector<16x1024xf32>
    %sub3A_588 = arith.subf %sub3A_587, %add3A_548 : vector<16x1024xf32>
    %div3A_589 = arith.constant 2.000000e+00 : f32
    %div3A_590 = vector.broadcast %div3A_589 : f32 to vector<16x1024xf32>
    %div3A_591 = arith.divf %sub3A_588, %div3A_590 : vector<16x1024xf32>
    %add3A_592 = arith.addf %add3A_548, %div3A_591 : vector<16x1024xf32>
    %mul3A_593 = arith.mulf %add3A_592, %add3A_592 : vector<16x1024xf32>
    %reduce_sum3A_594 = vector.shape_cast %mul3A_593 : vector<16x1024xf32> to vector<1x16x1024xf32>
    %reduce_sum3A_595 = arith.constant dense<0.000000e+00> : vector<1xf32>
    %reduce_sum3A_596 = vector.multi_reduction <add>, %reduce_sum3A_594, %reduce_sum3A_595 [1, 2] : vector<1x16x1024xf32> to vector<1xf32>
    %reduce_sum3A_597 = vector.shape_cast %reduce_sum3A_596 : vector<1xf32> to vector<1x1x1xf32>
    %reduce_sum3A_598 = vector.extract %reduce_sum3A_597[0, 0, 0] : f32 from vector<1x1x1xf32>
    %add3A_599 = arith.addf %add3A_555, %reduce_sum3A_598 : f32
    %sub3A_600 = arith.subf %add3A_69, %mul3A_569 : vector<16x1024xf32>
    %div3A_601 = arith.constant 2.000000e+00 : f32
    %div3A_602 = vector.broadcast %div3A_601 : f32 to vector<16x1024xf32>
    %div3A_603 = arith.divf %sub3A_600, %div3A_602 : vector<16x1024xf32>
    %add3A_604 = arith.addf %mul3A_569, %div3A_603 : vector<16x1024xf32>
    %ge3A_605 = arith.constant 1.000000e+00 : f32
    %ge3A_606 = vector.broadcast %ge3A_605 : f32 to vector<16x1024xf32>
    %ge3A_607 = arith.cmpf oge, %add3A_604, %ge3A_606 : vector<16x1024xf32>
    %convert_element_type3A_608 = arith.extui %ge3A_607 : vector<16x1024xi1> to vector<16x1024xi32>
    %convert_element_type3A_609 = arith.sitofp %convert_element_type3A_608 : vector<16x1024xi32> to vector<16x1024xf32>
    %sub3A_610 = arith.constant 1.000000e+00 : f32
    %sub3A_611 = vector.broadcast %sub3A_610 : f32 to vector<16x1024xf32>
    %sub3A_612 = arith.subf %sub3A_611, %convert_element_type3A_609 : vector<16x1024xf32>
    %mul3A_613 = arith.mulf %add3A_604, %sub3A_612 : vector<16x1024xf32>
    %reshape3A_614 = vector.shape_cast %convert_element_type3A_609 : vector<16x1024xf32> to vector<16x32x32xf32>
    %swap3A_615 = arith.constant 12 : index
    %swap3A_616 = arith.constant 0 : index
    %swap3A_617 = arith.constant 0 : index
    %swap3A_618 = arith.constant 0 : index
    %swap3A_619 = arith.constant 0 : index
    %swap3A_620 = vector.load %arg10[%swap3A_615, %swap3A_616, %swap3A_617, %swap3A_618, %swap3A_619] : memref<16x1x16x32x32xf32, #tpu.memory_space<vmem>>, vector<1x1x16x32x32xf32>
    %swap3A_621 = vector.shape_cast %swap3A_620 : vector<1x1x16x32x32xf32> to vector<16x32x32xf32>
    %swap3A_622 = vector.shape_cast %reshape3A_614 : vector<16x32x32xf32> to vector<1x1x16x32x32xf32>
    tpu.vector_store %arg10[%swap3A_615, %swap3A_616, %swap3A_617, %swap3A_618, %swap3A_619], %swap3A_622 {strides = array<i32>} : memref<16x1x16x32x32xf32, #tpu.memory_space<vmem>>, vector<1x1x16x32x32xf32>,
    %get3A_623 = arith.constant 12 : index
    %get3A_624 = arith.constant 0 : index
    %get3A_625 = arith.constant 0 : index
    %get3A_626 = arith.constant 0 : index
    %get3A_627 = arith.constant 0 : index
    %get3A_628 = vector.load %arg3[%get3A_623, %get3A_624, %get3A_625, %get3A_626, %get3A_627] : memref<16x1x16x32x32xf32, #tpu.memory_space<vmem>>, vector<1x1x16x32x32xf32>
    %get3A_629 = vector.shape_cast %get3A_628 : vector<1x1x16x32x32xf32> to vector<16x32x32xf32>
    %reshape3A_630 = vector.shape_cast %get3A_629 : vector<16x32x32xf32> to vector<16x1024xf32>
    %sub3A_631 = arith.subf %convert_element_type3A_609, %reshape3A_630 : vector<16x1024xf32>
    %sub3A_632 = arith.subf %sub3A_631, %add3A_592 : vector<16x1024xf32>
    %div3A_633 = arith.constant 2.000000e+00 : f32
    %div3A_634 = vector.broadcast %div3A_633 : f32 to vector<16x1024xf32>
    %div3A_635 = arith.divf %sub3A_632, %div3A_634 : vector<16x1024xf32>
    %add3A_636 = arith.addf %add3A_592, %div3A_635 : vector<16x1024xf32>
    %mul3A_637 = arith.mulf %add3A_636, %add3A_636 : vector<16x1024xf32>
    %reduce_sum3A_638 = vector.shape_cast %mul3A_637 : vector<16x1024xf32> to vector<1x16x1024xf32>
    %reduce_sum3A_639 = arith.constant dense<0.000000e+00> : vector<1xf32>
    %reduce_sum3A_640 = vector.multi_reduction <add>, %reduce_sum3A_638, %reduce_sum3A_639 [1, 2] : vector<1x16x1024xf32> to vector<1xf32>
    %reduce_sum3A_641 = vector.shape_cast %reduce_sum3A_640 : vector<1xf32> to vector<1x1x1xf32>
    %reduce_sum3A_642 = vector.extract %reduce_sum3A_641[0, 0, 0] : f32 from vector<1x1x1xf32>
    %add3A_643 = arith.addf %add3A_599, %reduce_sum3A_642 : f32
    %sub3A_644 = arith.subf %add3A_69, %mul3A_613 : vector<16x1024xf32>
    %div3A_645 = arith.constant 2.000000e+00 : f32
    %div3A_646 = vector.broadcast %div3A_645 : f32 to vector<16x1024xf32>
    %div3A_647 = arith.divf %sub3A_644, %div3A_646 : vector<16x1024xf32>
    %add3A_648 = arith.addf %mul3A_613, %div3A_647 : vector<16x1024xf32>
    %ge3A_649 = arith.constant 1.000000e+00 : f32
    %ge3A_650 = vector.broadcast %ge3A_649 : f32 to vector<16x1024xf32>
    %ge3A_651 = arith.cmpf oge, %add3A_648, %ge3A_650 : vector<16x1024xf32>
    %convert_element_type3A_652 = arith.extui %ge3A_651 : vector<16x1024xi1> to vector<16x1024xi32>
    %convert_element_type3A_653 = arith.sitofp %convert_element_type3A_652 : vector<16x1024xi32> to vector<16x1024xf32>
    %sub3A_654 = arith.constant 1.000000e+00 : f32
    %sub3A_655 = vector.broadcast %sub3A_654 : f32 to vector<16x1024xf32>
    %sub3A_656 = arith.subf %sub3A_655, %convert_element_type3A_653 : vector<16x1024xf32>
    %mul3A_657 = arith.mulf %add3A_648, %sub3A_656 : vector<16x1024xf32>
    %reshape3A_658 = vector.shape_cast %convert_element_type3A_653 : vector<16x1024xf32> to vector<16x32x32xf32>
    %swap3A_659 = arith.constant 13 : index
    %swap3A_660 = arith.constant 0 : index
    %swap3A_661 = arith.constant 0 : index
    %swap3A_662 = arith.constant 0 : index
    %swap3A_663 = arith.constant 0 : index
    %swap3A_664 = vector.load %arg10[%swap3A_659, %swap3A_660, %swap3A_661, %swap3A_662, %swap3A_663] : memref<16x1x16x32x32xf32, #tpu.memory_space<vmem>>, vector<1x1x16x32x32xf32>
    %swap3A_665 = vector.shape_cast %swap3A_664 : vector<1x1x16x32x32xf32> to vector<16x32x32xf32>
    %swap3A_666 = vector.shape_cast %reshape3A_658 : vector<16x32x32xf32> to vector<1x1x16x32x32xf32>
    tpu.vector_store %arg10[%swap3A_659, %swap3A_660, %swap3A_661, %swap3A_662, %swap3A_663], %swap3A_666 {strides = array<i32>} : memref<16x1x16x32x32xf32, #tpu.memory_space<vmem>>, vector<1x1x16x32x32xf32>,
    %get3A_667 = arith.constant 13 : index
    %get3A_668 = arith.constant 0 : index
    %get3A_669 = arith.constant 0 : index
    %get3A_670 = arith.constant 0 : index
    %get3A_671 = arith.constant 0 : index
    %get3A_672 = vector.load %arg3[%get3A_667, %get3A_668, %get3A_669, %get3A_670, %get3A_671] : memref<16x1x16x32x32xf32, #tpu.memory_space<vmem>>, vector<1x1x16x32x32xf32>
    %get3A_673 = vector.shape_cast %get3A_672 : vector<1x1x16x32x32xf32> to vector<16x32x32xf32>
    %reshape3A_674 = vector.shape_cast %get3A_673 : vector<16x32x32xf32> to vector<16x1024xf32>
    %sub3A_675 = arith.subf %convert_element_type3A_653, %reshape3A_674 : vector<16x1024xf32>
    %sub3A_676 = arith.subf %sub3A_675, %add3A_636 : vector<16x1024xf32>
    %div3A_677 = arith.constant 2.000000e+00 : f32
    %div3A_678 = vector.broadcast %div3A_677 : f32 to vector<16x1024xf32>
    %div3A_679 = arith.divf %sub3A_676, %div3A_678 : vector<16x1024xf32>
    %add3A_680 = arith.addf %add3A_636, %div3A_679 : vector<16x1024xf32>
    %mul3A_681 = arith.mulf %add3A_680, %add3A_680 : vector<16x1024xf32>
    %reduce_sum3A_682 = vector.shape_cast %mul3A_681 : vector<16x1024xf32> to vector<1x16x1024xf32>
    %reduce_sum3A_683 = arith.constant dense<0.000000e+00> : vector<1xf32>
    %reduce_sum3A_684 = vector.multi_reduction <add>, %reduce_sum3A_682, %reduce_sum3A_683 [1, 2] : vector<1x16x1024xf32> to vector<1xf32>
    %reduce_sum3A_685 = vector.shape_cast %reduce_sum3A_684 : vector<1xf32> to vector<1x1x1xf32>
    %reduce_sum3A_686 = vector.extract %reduce_sum3A_685[0, 0, 0] : f32 from vector<1x1x1xf32>
    %add3A_687 = arith.addf %add3A_643, %reduce_sum3A_686 : f32
    %sub3A_688 = arith.subf %add3A_69, %mul3A_657 : vector<16x1024xf32>
    %div3A_689 = arith.constant 2.000000e+00 : f32
    %div3A_690 = vector.broadcast %div3A_689 : f32 to vector<16x1024xf32>
    %div3A_691 = arith.divf %sub3A_688, %div3A_690 : vector<16x1024xf32>
    %add3A_692 = arith.addf %mul3A_657, %div3A_691 : vector<16x1024xf32>
    %ge3A_693 = arith.constant 1.000000e+00 : f32
    %ge3A_694 = vector.broadcast %ge3A_693 : f32 to vector<16x1024xf32>
    %ge3A_695 = arith.cmpf oge, %add3A_692, %ge3A_694 : vector<16x1024xf32>
    %convert_element_type3A_696 = arith.extui %ge3A_695 : vector<16x1024xi1> to vector<16x1024xi32>
    %convert_element_type3A_697 = arith.sitofp %convert_element_type3A_696 : vector<16x1024xi32> to vector<16x1024xf32>
    %sub3A_698 = arith.constant 1.000000e+00 : f32
    %sub3A_699 = vector.broadcast %sub3A_698 : f32 to vector<16x1024xf32>
    %sub3A_700 = arith.subf %sub3A_699, %convert_element_type3A_697 : vector<16x1024xf32>
    %mul3A_701 = arith.mulf %add3A_692, %sub3A_700 : vector<16x1024xf32>
    %reshape3A_702 = vector.shape_cast %convert_element_type3A_697 : vector<16x1024xf32> to vector<16x32x32xf32>
    %swap3A_703 = arith.constant 14 : index
    %swap3A_704 = arith.constant 0 : index
    %swap3A_705 = arith.constant 0 : index
    %swap3A_706 = arith.constant 0 : index
    %swap3A_707 = arith.constant 0 : index
    %swap3A_708 = vector.load %arg10[%swap3A_703, %swap3A_704, %swap3A_705, %swap3A_706, %swap3A_707] : memref<16x1x16x32x32xf32, #tpu.memory_space<vmem>>, vector<1x1x16x32x32xf32>
    %swap3A_709 = vector.shape_cast %swap3A_708 : vector<1x1x16x32x32xf32> to vector<16x32x32xf32>
    %swap3A_710 = vector.shape_cast %reshape3A_702 : vector<16x32x32xf32> to vector<1x1x16x32x32xf32>
    tpu.vector_store %arg10[%swap3A_703, %swap3A_704, %swap3A_705, %swap3A_706, %swap3A_707], %swap3A_710 {strides = array<i32>} : memref<16x1x16x32x32xf32, #tpu.memory_space<vmem>>, vector<1x1x16x32x32xf32>,
    %get3A_711 = arith.constant 14 : index
    %get3A_712 = arith.constant 0 : index
    %get3A_713 = arith.constant 0 : index
    %get3A_714 = arith.constant 0 : index
    %get3A_715 = arith.constant 0 : index
    %get3A_716 = vector.load %arg3[%get3A_711, %get3A_712, %get3A_713, %get3A_714, %get3A_715] : memref<16x1x16x32x32xf32, #tpu.memory_space<vmem>>, vector<1x1x16x32x32xf32>
    %get3A_717 = vector.shape_cast %get3A_716 : vector<1x1x16x32x32xf32> to vector<16x32x32xf32>
    %reshape3A_718 = vector.shape_cast %get3A_717 : vector<16x32x32xf32> to vector<16x1024xf32>
    %sub3A_719 = arith.subf %convert_element_type3A_697, %reshape3A_718 : vector<16x1024xf32>
    %sub3A_720 = arith.subf %sub3A_719, %add3A_680 : vector<16x1024xf32>
    %div3A_721 = arith.constant 2.000000e+00 : f32
    %div3A_722 = vector.broadcast %div3A_721 : f32 to vector<16x1024xf32>
    %div3A_723 = arith.divf %sub3A_720, %div3A_722 : vector<16x1024xf32>
    %add3A_724 = arith.addf %add3A_680, %div3A_723 : vector<16x1024xf32>
    %mul3A_725 = arith.mulf %add3A_724, %add3A_724 : vector<16x1024xf32>
    %reduce_sum3A_726 = vector.shape_cast %mul3A_725 : vector<16x1024xf32> to vector<1x16x1024xf32>
    %reduce_sum3A_727 = arith.constant dense<0.000000e+00> : vector<1xf32>
    %reduce_sum3A_728 = vector.multi_reduction <add>, %reduce_sum3A_726, %reduce_sum3A_727 [1, 2] : vector<1x16x1024xf32> to vector<1xf32>
    %reduce_sum3A_729 = vector.shape_cast %reduce_sum3A_728 : vector<1xf32> to vector<1x1x1xf32>
    %reduce_sum3A_730 = vector.extract %reduce_sum3A_729[0, 0, 0] : f32 from vector<1x1x1xf32>
    %add3A_731 = arith.addf %add3A_687, %reduce_sum3A_730 : f32
    %sub3A_732 = arith.subf %add3A_69, %mul3A_701 : vector<16x1024xf32>
    %div3A_733 = arith.constant 2.000000e+00 : f32
    %div3A_734 = vector.broadcast %div3A_733 : f32 to vector<16x1024xf32>
    %div3A_735 = arith.divf %sub3A_732, %div3A_734 : vector<16x1024xf32>
    %add3A_736 = arith.addf %mul3A_701, %div3A_735 : vector<16x1024xf32>
    %ge3A_737 = arith.constant 1.000000e+00 : f32
    %ge3A_738 = vector.broadcast %ge3A_737 : f32 to vector<16x1024xf32>
    %ge3A_739 = arith.cmpf oge, %add3A_736, %ge3A_738 : vector<16x1024xf32>
    %convert_element_type3A_740 = arith.extui %ge3A_739 : vector<16x1024xi1> to vector<16x1024xi32>
    %convert_element_type3A_741 = arith.sitofp %convert_element_type3A_740 : vector<16x1024xi32> to vector<16x1024xf32>
    %reshape3A_742 = vector.shape_cast %convert_element_type3A_741 : vector<16x1024xf32> to vector<16x32x32xf32>
    %swap3A_743 = arith.constant 15 : index
    %swap3A_744 = arith.constant 0 : index
    %swap3A_745 = arith.constant 0 : index
    %swap3A_746 = arith.constant 0 : index
    %swap3A_747 = arith.constant 0 : index
    %swap3A_748 = vector.load %arg10[%swap3A_743, %swap3A_744, %swap3A_745, %swap3A_746, %swap3A_747] : memref<16x1x16x32x32xf32, #tpu.memory_space<vmem>>, vector<1x1x16x32x32xf32>
    %swap3A_749 = vector.shape_cast %swap3A_748 : vector<1x1x16x32x32xf32> to vector<16x32x32xf32>
    %swap3A_750 = vector.shape_cast %reshape3A_742 : vector<16x32x32xf32> to vector<1x1x16x32x32xf32>
    tpu.vector_store %arg10[%swap3A_743, %swap3A_744, %swap3A_745, %swap3A_746, %swap3A_747], %swap3A_750 {strides = array<i32>} : memref<16x1x16x32x32xf32, #tpu.memory_space<vmem>>, vector<1x1x16x32x32xf32>,
    %get3A_751 = arith.constant 15 : index
    %get3A_752 = arith.constant 0 : index
    %get3A_753 = arith.constant 0 : index
    %get3A_754 = arith.constant 0 : index
    %get3A_755 = arith.constant 0 : index
    %get3A_756 = vector.load %arg3[%get3A_751, %get3A_752, %get3A_753, %get3A_754, %get3A_755] : memref<16x1x16x32x32xf32, #tpu.memory_space<vmem>>, vector<1x1x16x32x32xf32>
    %get3A_757 = vector.shape_cast %get3A_756 : vector<1x1x16x32x32xf32> to vector<16x32x32xf32>
    %reshape3A_758 = vector.shape_cast %get3A_757 : vector<16x32x32xf32> to vector<16x1024xf32>
    %sub3A_759 = arith.subf %convert_element_type3A_741, %reshape3A_758 : vector<16x1024xf32>
    %sub3A_760 = arith.subf %sub3A_759, %add3A_724 : vector<16x1024xf32>
    %div3A_761 = arith.constant 2.000000e+00 : f32
    %div3A_762 = vector.broadcast %div3A_761 : f32 to vector<16x1024xf32>
    %div3A_763 = arith.divf %sub3A_760, %div3A_762 : vector<16x1024xf32>
    %add3A_764 = arith.addf %add3A_724, %div3A_763 : vector<16x1024xf32>
    %mul3A_765 = arith.mulf %add3A_764, %add3A_764 : vector<16x1024xf32>
    %reduce_sum3A_766 = vector.shape_cast %mul3A_765 : vector<16x1024xf32> to vector<1x16x1024xf32>
    %reduce_sum3A_767 = arith.constant dense<0.000000e+00> : vector<1xf32>
    %reduce_sum3A_768 = vector.multi_reduction <add>, %reduce_sum3A_766, %reduce_sum3A_767 [1, 2] : vector<1x16x1024xf32> to vector<1xf32>
    %reduce_sum3A_769 = vector.shape_cast %reduce_sum3A_768 : vector<1xf32> to vector<1x1x1xf32>
    %reduce_sum3A_770 = vector.extract %reduce_sum3A_769[0, 0, 0] : f32 from vector<1x1x1xf32>
    %add3A_771 = arith.addf %add3A_731, %reduce_sum3A_770 : f32
    %eq3A = arith.constant 0 : i32
    %eq3A_772 = arith.cmpi eq, %arg0, %eq3A : i32
    %convert_element_type3A_773 = arith.extui %eq3A_772 : i1 to i32
    %cond3A = arith.constant 0 : i32
    %cond3A_774 = arith.cmpi ne, %convert_element_type3A_773, %cond3A : i32
    scf.if %cond3A_774 {
      %broadcast_in_dim3A_791 = arith.constant 0.000000e+00 : f32
      %broadcast_in_dim3A_792 = vector.broadcast %broadcast_in_dim3A_791 : f32 to vector<1x1xf32>
      %swap3A_793 = arith.constant 0 : index
      %swap3A_794 = arith.constant 0 : index
      %swap3A_795 = vector.load %arg11[%swap3A_793, %swap3A_794] : memref<1x1xf32, #tpu.memory_space<vmem>>, vector<1x1xf32>
      tpu.vector_store %arg11[%swap3A_793, %swap3A_794], %broadcast_in_dim3A_792 {strides = array<i32>} : memref<1x1xf32, #tpu.memory_space<vmem>>, vector<1x1xf32>,
      %broadcast_in_dim3A_796 = arith.constant 0.000000e+00 : f32
      %broadcast_in_dim3A_797 = vector.broadcast %broadcast_in_dim3A_796 : f32 to vector<1x1xf32>
      %swap3A_798 = arith.constant 0 : index
      %swap3A_799 = arith.constant 0 : index
      %swap3A_800 = vector.load %arg12[%swap3A_798, %swap3A_799] : memref<1x1xf32, #tpu.memory_space<vmem>>, vector<1x1xf32>
      tpu.vector_store %arg12[%swap3A_798, %swap3A_799], %broadcast_in_dim3A_797 {strides = array<i32>} : memref<1x1xf32, #tpu.memory_space<vmem>>, vector<1x1xf32>,
    } else {
    }
    %get3A_775 = arith.constant 0 : index
    %get3A_776 = arith.constant 0 : index
    %get3A_777 = vector.load %arg11[%get3A_775, %get3A_776] : memref<1x1xf32, #tpu.memory_space<vmem>>, vector<1x1xf32>
    %reshape3A_778 = vector.broadcast %reduce_sum3A_8 : f32 to vector<1x1xf32>
    %add3A_779 = arith.addf %get3A_777, %reshape3A_778 : vector<1x1xf32>
    %swap3A_780 = arith.constant 0 : index
    %swap3A_781 = arith.constant 0 : index
    %swap3A_782 = vector.load %arg11[%swap3A_780, %swap3A_781] : memref<1x1xf32, #tpu.memory_space<vmem>>, vector<1x1xf32>
    tpu.vector_store %arg11[%swap3A_780, %swap3A_781], %add3A_779 {strides = array<i32>} : memref<1x1xf32, #tpu.memory_space<vmem>>, vector<1x1xf32>,
    %get3A_783 = arith.constant 0 : index
    %get3A_784 = arith.constant 0 : index
    %get3A_785 = vector.load %arg12[%get3A_783, %get3A_784] : memref<1x1xf32, #tpu.memory_space<vmem>>, vector<1x1xf32>
    %reshape3A_786 = vector.broadcast %add3A_771 : f32 to vector<1x1xf32>
    %add3A_787 = arith.addf %get3A_785, %reshape3A_786 : vector<1x1xf32>
    %swap3A_788 = arith.constant 0 : index
    %swap3A_789 = arith.constant 0 : index
    %swap3A_790 = vector.load %arg12[%swap3A_788, %swap3A_789] : memref<1x1xf32, #tpu.memory_space<vmem>>, vector<1x1xf32>
    tpu.vector_store %arg12[%swap3A_788, %swap3A_789], %add3A_787 {strides = array<i32>} : memref<1x1xf32, #tpu.memory_space<vmem>>, vector<1x1xf32>,
    return
  }
  func.func @transform_0(%arg0: i32) -> (i32, i32) {
    %c0_i32 = arith.constant 0 : i32
    %c0_i32_0 = arith.constant 0 : i32
    return %arg0, %c0_i32 : i32, i32
  }
  func.func @transform_1(%arg0: i32) -> (i32, i32) {
    %c0_i32 = arith.constant 0 : i32
    %c0_i32_0 = arith.constant 0 : i32
    return %c0_i32, %arg0 : i32, i32
  }
  func.func @transform_2(%arg0: i32) -> (i32, i32, i32, i32, i32) {
    %c0_i32 = arith.constant 0 : i32
    %c0_i32_0 = arith.constant 0 : i32
    %c0_i32_1 = arith.constant 0 : i32
    %c0_i32_2 = arith.constant 0 : i32
    %c0_i32_3 = arith.constant 0 : i32
    return %c0_i32, %arg0, %c0_i32_0, %c0_i32_1, %c0_i32_2 : i32, i32, i32, i32, i32
  }
  func.func @transform_3(%arg0: i32) -> (i32, i32) {
    %c0_i32 = arith.constant 0 : i32
    %c0_i32_0 = arith.constant 0 : i32
    %c0_i32_1 = arith.constant 0 : i32
    return %c0_i32, %c0_i32_0 : i32, i32
  }
  func.func @transform_4(%arg0: i32) -> (i32, i32) {
    %c0_i32 = arith.constant 0 : i32
    %c0_i32_0 = arith.constant 0 : i32
    %c0_i32_1 = arith.constant 0 : i32
    return %c0_i32, %c0_i32_0 : i32, i32
  }
  func.func @transform_5(%arg0: i32) -> (i32, i32) {
    %c0_i32 = arith.constant 0 : i32
    %c0_i32_0 = arith.constant 0 : i32
    %c0_i32_1 = arith.constant 0 : i32
    return %c0_i32, %c0_i32_0 : i32, i32
  }
  func.func @transform_6(%arg0: i32) -> (i32, i32) {
    %c0_i32 = arith.constant 0 : i32
    %c0_i32_0 = arith.constant 0 : i32
    %c0_i32_1 = arith.constant 0 : i32
    return %c0_i32, %c0_i32_0 : i32, i32
  }
  func.func @transform_7(%arg0: i32) -> (i32, i32) {
    %c0_i32 = arith.constant 0 : i32
    %c0_i32_0 = arith.constant 0 : i32
    %c0_i32_1 = arith.constant 0 : i32
    return %c0_i32, %c0_i32_0 : i32, i32
  }
  func.func @transform_8(%arg0: i32) -> (i32, i32) {
    %c0_i32 = arith.constant 0 : i32
    %c0_i32_0 = arith.constant 0 : i32
    %c0_i32_1 = arith.constant 0 : i32
    return %c0_i32, %c0_i32_0 : i32, i32
  }
  func.func @transform_9(%arg0: i32) -> (i32, i32, i32, i32, i32) {
    %c0_i32 = arith.constant 0 : i32
    %c0_i32_0 = arith.constant 0 : i32
    %c0_i32_1 = arith.constant 0 : i32
    %c0_i32_2 = arith.constant 0 : i32
    %c0_i32_3 = arith.constant 0 : i32
    return %c0_i32, %arg0, %c0_i32_0, %c0_i32_1, %c0_i32_2 : i32, i32, i32, i32, i32
  }
  func.func @transform_10(%arg0: i32) -> (i32, i32) {
    %c0_i32 = arith.constant 0 : i32
    %c0_i32_0 = arith.constant 0 : i32
    %c0_i32_1 = arith.constant 0 : i32
    return %c0_i32, %c0_i32_0 : i32, i32
  }
  func.func @transform_11(%arg0: i32) -> (i32, i32) {
    %c0_i32 = arith.constant 0 : i32
    %c0_i32_0 = arith.constant 0 : i32
    %c0_i32_1 = arith.constant 0 : i32
    return %c0_i32, %c0_i32_0 : i32, i32
  }
}

module attributes {stable_mosaic.version = 14 : i64} {
  func.func @_vq_kernel(%arg0: i32, %arg1: memref<16x1x16x32x32xf32, #tpu.memory_space<vmem>>, %arg2: memref<1x16xf32, #tpu.memory_space<vmem>>, %arg3: memref<1x16xf32, #tpu.memory_space<vmem>>, %arg4: memref<8192x16xf32, #tpu.memory_space<vmem>>, %arg5: memref<1x1x1024xi32, #tpu.memory_space<vmem>>, %arg6: memref<16x1024xf32, #tpu.memory_space<vmem>>) attributes {dimension_semantics = [#tpu.dimension_semantics<arbitrary>], iteration_bounds = array<i64: 32>, scalar_prefetch = 0 : i64, scratch_operands = 0 : i64, tpu.core_type = #tpu.core_type<tc>, window_params = [{transform_indices = @transform_0, window_bounds = array<i64: 16, 1, 16, 32, 32>}, {pipeline_mode = #tpu.pipeline_mode<synchronous>, transform_indices = @transform_1, window_bounds = array<i64: 1, 16>}, {pipeline_mode = #tpu.pipeline_mode<synchronous>, transform_indices = @transform_2, window_bounds = array<i64: 1, 16>}, {pipeline_mode = #tpu.pipeline_mode<synchronous>, transform_indices = @transform_3, window_bounds = array<i64: 8192, 16>}, {transform_indices = @transform_4, window_bounds = array<i64: 1, 1, 1024>}, {transform_indices = @transform_5, window_bounds = array<i64: 16, 1024>}]} {
    %broadcast_in_dim3A = arith.constant 0.000000e+00 : f32
    %broadcast_in_dim3A_0 = vector.broadcast %broadcast_in_dim3A : f32 to vector<16x1024xf32>
    %broadcast_in_dim3A_1 = arith.constant 0.000000e+00 : f32
    %broadcast_in_dim3A_2 = vector.broadcast %broadcast_in_dim3A_1 : f32 to vector<16x1024xf32>
    %get3A = arith.constant 0 : index
    %get3A_3 = arith.constant 0 : index
    %get3A_4 = arith.constant 0 : index
    %get3A_5 = arith.constant 0 : index
    %get3A_6 = arith.constant 0 : index
    %get3A_7 = vector.load %arg1[%get3A, %get3A_3, %get3A_4, %get3A_5, %get3A_6] : memref<16x1x16x32x32xf32, #tpu.memory_space<vmem>>, vector<1x1x16x32x32xf32>
    %get3A_8 = vector.shape_cast %get3A_7 : vector<1x1x16x32x32xf32> to vector<16x32x32xf32>
    %reshape3A = vector.shape_cast %get3A_8 : vector<16x32x32xf32> to vector<16x1024xf32>
    %convert_element_type3A = arith.truncf %reshape3A : vector<16x1024xf32> to vector<16x1024xbf16>
    %convert_element_type3A_9 = arith.extf %convert_element_type3A : vector<16x1024xbf16> to vector<16x1024xf32>
    %get3A_10 = arith.constant 0 : index
    %get3A_11 = arith.constant 0 : index
    %get3A_12 = vector.load %arg2[%get3A_10, %get3A_11] : memref<1x16xf32, #tpu.memory_space<vmem>>, vector<1x1xf32>
    %get3A_13 = vector.extract %get3A_12[0, 0] : f32 from vector<1x1xf32>
    %mul3A = vector.broadcast %get3A_13 : f32 to vector<16x1024xf32>
    %mul3A_14 = arith.mulf %mul3A, %convert_element_type3A_9 : vector<16x1024xf32>
    %add3A = arith.addf %broadcast_in_dim3A_0, %mul3A_14 : vector<16x1024xf32>
    %add3A_15 = arith.addf %broadcast_in_dim3A_2, %reshape3A : vector<16x1024xf32>
    %get3A_16 = arith.constant 1 : index
    %get3A_17 = arith.constant 0 : index
    %get3A_18 = arith.constant 0 : index
    %get3A_19 = arith.constant 0 : index
    %get3A_20 = arith.constant 0 : index
    %get3A_21 = vector.load %arg1[%get3A_16, %get3A_17, %get3A_18, %get3A_19, %get3A_20] : memref<16x1x16x32x32xf32, #tpu.memory_space<vmem>>, vector<1x1x16x32x32xf32>
    %get3A_22 = vector.shape_cast %get3A_21 : vector<1x1x16x32x32xf32> to vector<16x32x32xf32>
    %reshape3A_23 = vector.shape_cast %get3A_22 : vector<16x32x32xf32> to vector<16x1024xf32>
    %convert_element_type3A_24 = arith.truncf %reshape3A_23 : vector<16x1024xf32> to vector<16x1024xbf16>
    %convert_element_type3A_25 = arith.extf %convert_element_type3A_24 : vector<16x1024xbf16> to vector<16x1024xf32>
    %get3A_26 = arith.constant 0 : index
    %get3A_27 = arith.constant 1 : index
    %get3A_28 = vector.load %arg2[%get3A_26, %get3A_27] : memref<1x16xf32, #tpu.memory_space<vmem>>, vector<1x1xf32>
    %get3A_29 = vector.extract %get3A_28[0, 0] : f32 from vector<1x1xf32>
    %mul3A_30 = vector.broadcast %get3A_29 : f32 to vector<16x1024xf32>
    %mul3A_31 = arith.mulf %mul3A_30, %convert_element_type3A_25 : vector<16x1024xf32>
    %add3A_32 = arith.addf %add3A, %mul3A_31 : vector<16x1024xf32>
    %add3A_33 = arith.addf %add3A_15, %reshape3A_23 : vector<16x1024xf32>
    %get3A_34 = arith.constant 2 : index
    %get3A_35 = arith.constant 0 : index
    %get3A_36 = arith.constant 0 : index
    %get3A_37 = arith.constant 0 : index
    %get3A_38 = arith.constant 0 : index
    %get3A_39 = vector.load %arg1[%get3A_34, %get3A_35, %get3A_36, %get3A_37, %get3A_38] : memref<16x1x16x32x32xf32, #tpu.memory_space<vmem>>, vector<1x1x16x32x32xf32>
    %get3A_40 = vector.shape_cast %get3A_39 : vector<1x1x16x32x32xf32> to vector<16x32x32xf32>
    %reshape3A_41 = vector.shape_cast %get3A_40 : vector<16x32x32xf32> to vector<16x1024xf32>
    %convert_element_type3A_42 = arith.truncf %reshape3A_41 : vector<16x1024xf32> to vector<16x1024xbf16>
    %convert_element_type3A_43 = arith.extf %convert_element_type3A_42 : vector<16x1024xbf16> to vector<16x1024xf32>
    %get3A_44 = arith.constant 0 : index
    %get3A_45 = arith.constant 2 : index
    %get3A_46 = vector.load %arg2[%get3A_44, %get3A_45] : memref<1x16xf32, #tpu.memory_space<vmem>>, vector<1x1xf32>
    %get3A_47 = vector.extract %get3A_46[0, 0] : f32 from vector<1x1xf32>
    %mul3A_48 = vector.broadcast %get3A_47 : f32 to vector<16x1024xf32>
    %mul3A_49 = arith.mulf %mul3A_48, %convert_element_type3A_43 : vector<16x1024xf32>
    %add3A_50 = arith.addf %add3A_32, %mul3A_49 : vector<16x1024xf32>
    %add3A_51 = arith.addf %add3A_33, %reshape3A_41 : vector<16x1024xf32>
    %get3A_52 = arith.constant 3 : index
    %get3A_53 = arith.constant 0 : index
    %get3A_54 = arith.constant 0 : index
    %get3A_55 = arith.constant 0 : index
    %get3A_56 = arith.constant 0 : index
    %get3A_57 = vector.load %arg1[%get3A_52, %get3A_53, %get3A_54, %get3A_55, %get3A_56] : memref<16x1x16x32x32xf32, #tpu.memory_space<vmem>>, vector<1x1x16x32x32xf32>
    %get3A_58 = vector.shape_cast %get3A_57 : vector<1x1x16x32x32xf32> to vector<16x32x32xf32>
    %reshape3A_59 = vector.shape_cast %get3A_58 : vector<16x32x32xf32> to vector<16x1024xf32>
    %convert_element_type3A_60 = arith.truncf %reshape3A_59 : vector<16x1024xf32> to vector<16x1024xbf16>
    %convert_element_type3A_61 = arith.extf %convert_element_type3A_60 : vector<16x1024xbf16> to vector<16x1024xf32>
    %get3A_62 = arith.constant 0 : index
    %get3A_63 = arith.constant 3 : index
    %get3A_64 = vector.load %arg2[%get3A_62, %get3A_63] : memref<1x16xf32, #tpu.memory_space<vmem>>, vector<1x1xf32>
    %get3A_65 = vector.extract %get3A_64[0, 0] : f32 from vector<1x1xf32>
    %mul3A_66 = vector.broadcast %get3A_65 : f32 to vector<16x1024xf32>
    %mul3A_67 = arith.mulf %mul3A_66, %convert_element_type3A_61 : vector<16x1024xf32>
    %add3A_68 = arith.addf %add3A_50, %mul3A_67 : vector<16x1024xf32>
    %add3A_69 = arith.addf %add3A_51, %reshape3A_59 : vector<16x1024xf32>
    %get3A_70 = arith.constant 4 : index
    %get3A_71 = arith.constant 0 : index
    %get3A_72 = arith.constant 0 : index
    %get3A_73 = arith.constant 0 : index
    %get3A_74 = arith.constant 0 : index
    %get3A_75 = vector.load %arg1[%get3A_70, %get3A_71, %get3A_72, %get3A_73, %get3A_74] : memref<16x1x16x32x32xf32, #tpu.memory_space<vmem>>, vector<1x1x16x32x32xf32>
    %get3A_76 = vector.shape_cast %get3A_75 : vector<1x1x16x32x32xf32> to vector<16x32x32xf32>
    %reshape3A_77 = vector.shape_cast %get3A_76 : vector<16x32x32xf32> to vector<16x1024xf32>
    %convert_element_type3A_78 = arith.truncf %reshape3A_77 : vector<16x1024xf32> to vector<16x1024xbf16>
    %convert_element_type3A_79 = arith.extf %convert_element_type3A_78 : vector<16x1024xbf16> to vector<16x1024xf32>
    %get3A_80 = arith.constant 0 : index
    %get3A_81 = arith.constant 4 : index
    %get3A_82 = vector.load %arg2[%get3A_80, %get3A_81] : memref<1x16xf32, #tpu.memory_space<vmem>>, vector<1x1xf32>
    %get3A_83 = vector.extract %get3A_82[0, 0] : f32 from vector<1x1xf32>
    %mul3A_84 = vector.broadcast %get3A_83 : f32 to vector<16x1024xf32>
    %mul3A_85 = arith.mulf %mul3A_84, %convert_element_type3A_79 : vector<16x1024xf32>
    %add3A_86 = arith.addf %add3A_68, %mul3A_85 : vector<16x1024xf32>
    %add3A_87 = arith.addf %add3A_69, %reshape3A_77 : vector<16x1024xf32>
    %get3A_88 = arith.constant 5 : index
    %get3A_89 = arith.constant 0 : index
    %get3A_90 = arith.constant 0 : index
    %get3A_91 = arith.constant 0 : index
    %get3A_92 = arith.constant 0 : index
    %get3A_93 = vector.load %arg1[%get3A_88, %get3A_89, %get3A_90, %get3A_91, %get3A_92] : memref<16x1x16x32x32xf32, #tpu.memory_space<vmem>>, vector<1x1x16x32x32xf32>
    %get3A_94 = vector.shape_cast %get3A_93 : vector<1x1x16x32x32xf32> to vector<16x32x32xf32>
    %reshape3A_95 = vector.shape_cast %get3A_94 : vector<16x32x32xf32> to vector<16x1024xf32>
    %convert_element_type3A_96 = arith.truncf %reshape3A_95 : vector<16x1024xf32> to vector<16x1024xbf16>
    %convert_element_type3A_97 = arith.extf %convert_element_type3A_96 : vector<16x1024xbf16> to vector<16x1024xf32>
    %get3A_98 = arith.constant 0 : index
    %get3A_99 = arith.constant 5 : index
    %get3A_100 = vector.load %arg2[%get3A_98, %get3A_99] : memref<1x16xf32, #tpu.memory_space<vmem>>, vector<1x1xf32>
    %get3A_101 = vector.extract %get3A_100[0, 0] : f32 from vector<1x1xf32>
    %mul3A_102 = vector.broadcast %get3A_101 : f32 to vector<16x1024xf32>
    %mul3A_103 = arith.mulf %mul3A_102, %convert_element_type3A_97 : vector<16x1024xf32>
    %add3A_104 = arith.addf %add3A_86, %mul3A_103 : vector<16x1024xf32>
    %add3A_105 = arith.addf %add3A_87, %reshape3A_95 : vector<16x1024xf32>
    %get3A_106 = arith.constant 6 : index
    %get3A_107 = arith.constant 0 : index
    %get3A_108 = arith.constant 0 : index
    %get3A_109 = arith.constant 0 : index
    %get3A_110 = arith.constant 0 : index
    %get3A_111 = vector.load %arg1[%get3A_106, %get3A_107, %get3A_108, %get3A_109, %get3A_110] : memref<16x1x16x32x32xf32, #tpu.memory_space<vmem>>, vector<1x1x16x32x32xf32>
    %get3A_112 = vector.shape_cast %get3A_111 : vector<1x1x16x32x32xf32> to vector<16x32x32xf32>
    %reshape3A_113 = vector.shape_cast %get3A_112 : vector<16x32x32xf32> to vector<16x1024xf32>
    %convert_element_type3A_114 = arith.truncf %reshape3A_113 : vector<16x1024xf32> to vector<16x1024xbf16>
    %convert_element_type3A_115 = arith.extf %convert_element_type3A_114 : vector<16x1024xbf16> to vector<16x1024xf32>
    %get3A_116 = arith.constant 0 : index
    %get3A_117 = arith.constant 6 : index
    %get3A_118 = vector.load %arg2[%get3A_116, %get3A_117] : memref<1x16xf32, #tpu.memory_space<vmem>>, vector<1x1xf32>
    %get3A_119 = vector.extract %get3A_118[0, 0] : f32 from vector<1x1xf32>
    %mul3A_120 = vector.broadcast %get3A_119 : f32 to vector<16x1024xf32>
    %mul3A_121 = arith.mulf %mul3A_120, %convert_element_type3A_115 : vector<16x1024xf32>
    %add3A_122 = arith.addf %add3A_104, %mul3A_121 : vector<16x1024xf32>
    %add3A_123 = arith.addf %add3A_105, %reshape3A_113 : vector<16x1024xf32>
    %get3A_124 = arith.constant 7 : index
    %get3A_125 = arith.constant 0 : index
    %get3A_126 = arith.constant 0 : index
    %get3A_127 = arith.constant 0 : index
    %get3A_128 = arith.constant 0 : index
    %get3A_129 = vector.load %arg1[%get3A_124, %get3A_125, %get3A_126, %get3A_127, %get3A_128] : memref<16x1x16x32x32xf32, #tpu.memory_space<vmem>>, vector<1x1x16x32x32xf32>
    %get3A_130 = vector.shape_cast %get3A_129 : vector<1x1x16x32x32xf32> to vector<16x32x32xf32>
    %reshape3A_131 = vector.shape_cast %get3A_130 : vector<16x32x32xf32> to vector<16x1024xf32>
    %convert_element_type3A_132 = arith.truncf %reshape3A_131 : vector<16x1024xf32> to vector<16x1024xbf16>
    %convert_element_type3A_133 = arith.extf %convert_element_type3A_132 : vector<16x1024xbf16> to vector<16x1024xf32>
    %get3A_134 = arith.constant 0 : index
    %get3A_135 = arith.constant 7 : index
    %get3A_136 = vector.load %arg2[%get3A_134, %get3A_135] : memref<1x16xf32, #tpu.memory_space<vmem>>, vector<1x1xf32>
    %get3A_137 = vector.extract %get3A_136[0, 0] : f32 from vector<1x1xf32>
    %mul3A_138 = vector.broadcast %get3A_137 : f32 to vector<16x1024xf32>
    %mul3A_139 = arith.mulf %mul3A_138, %convert_element_type3A_133 : vector<16x1024xf32>
    %add3A_140 = arith.addf %add3A_122, %mul3A_139 : vector<16x1024xf32>
    %add3A_141 = arith.addf %add3A_123, %reshape3A_131 : vector<16x1024xf32>
    %get3A_142 = arith.constant 8 : index
    %get3A_143 = arith.constant 0 : index
    %get3A_144 = arith.constant 0 : index
    %get3A_145 = arith.constant 0 : index
    %get3A_146 = arith.constant 0 : index
    %get3A_147 = vector.load %arg1[%get3A_142, %get3A_143, %get3A_144, %get3A_145, %get3A_146] : memref<16x1x16x32x32xf32, #tpu.memory_space<vmem>>, vector<1x1x16x32x32xf32>
    %get3A_148 = vector.shape_cast %get3A_147 : vector<1x1x16x32x32xf32> to vector<16x32x32xf32>
    %reshape3A_149 = vector.shape_cast %get3A_148 : vector<16x32x32xf32> to vector<16x1024xf32>
    %convert_element_type3A_150 = arith.truncf %reshape3A_149 : vector<16x1024xf32> to vector<16x1024xbf16>
    %convert_element_type3A_151 = arith.extf %convert_element_type3A_150 : vector<16x1024xbf16> to vector<16x1024xf32>
    %get3A_152 = arith.constant 0 : index
    %get3A_153 = arith.constant 8 : index
    %get3A_154 = vector.load %arg2[%get3A_152, %get3A_153] : memref<1x16xf32, #tpu.memory_space<vmem>>, vector<1x1xf32>
    %get3A_155 = vector.extract %get3A_154[0, 0] : f32 from vector<1x1xf32>
    %mul3A_156 = vector.broadcast %get3A_155 : f32 to vector<16x1024xf32>
    %mul3A_157 = arith.mulf %mul3A_156, %convert_element_type3A_151 : vector<16x1024xf32>
    %add3A_158 = arith.addf %add3A_140, %mul3A_157 : vector<16x1024xf32>
    %add3A_159 = arith.addf %add3A_141, %reshape3A_149 : vector<16x1024xf32>
    %get3A_160 = arith.constant 9 : index
    %get3A_161 = arith.constant 0 : index
    %get3A_162 = arith.constant 0 : index
    %get3A_163 = arith.constant 0 : index
    %get3A_164 = arith.constant 0 : index
    %get3A_165 = vector.load %arg1[%get3A_160, %get3A_161, %get3A_162, %get3A_163, %get3A_164] : memref<16x1x16x32x32xf32, #tpu.memory_space<vmem>>, vector<1x1x16x32x32xf32>
    %get3A_166 = vector.shape_cast %get3A_165 : vector<1x1x16x32x32xf32> to vector<16x32x32xf32>
    %reshape3A_167 = vector.shape_cast %get3A_166 : vector<16x32x32xf32> to vector<16x1024xf32>
    %convert_element_type3A_168 = arith.truncf %reshape3A_167 : vector<16x1024xf32> to vector<16x1024xbf16>
    %convert_element_type3A_169 = arith.extf %convert_element_type3A_168 : vector<16x1024xbf16> to vector<16x1024xf32>
    %get3A_170 = arith.constant 0 : index
    %get3A_171 = arith.constant 9 : index
    %get3A_172 = vector.load %arg2[%get3A_170, %get3A_171] : memref<1x16xf32, #tpu.memory_space<vmem>>, vector<1x1xf32>
    %get3A_173 = vector.extract %get3A_172[0, 0] : f32 from vector<1x1xf32>
    %mul3A_174 = vector.broadcast %get3A_173 : f32 to vector<16x1024xf32>
    %mul3A_175 = arith.mulf %mul3A_174, %convert_element_type3A_169 : vector<16x1024xf32>
    %add3A_176 = arith.addf %add3A_158, %mul3A_175 : vector<16x1024xf32>
    %add3A_177 = arith.addf %add3A_159, %reshape3A_167 : vector<16x1024xf32>
    %get3A_178 = arith.constant 10 : index
    %get3A_179 = arith.constant 0 : index
    %get3A_180 = arith.constant 0 : index
    %get3A_181 = arith.constant 0 : index
    %get3A_182 = arith.constant 0 : index
    %get3A_183 = vector.load %arg1[%get3A_178, %get3A_179, %get3A_180, %get3A_181, %get3A_182] : memref<16x1x16x32x32xf32, #tpu.memory_space<vmem>>, vector<1x1x16x32x32xf32>
    %get3A_184 = vector.shape_cast %get3A_183 : vector<1x1x16x32x32xf32> to vector<16x32x32xf32>
    %reshape3A_185 = vector.shape_cast %get3A_184 : vector<16x32x32xf32> to vector<16x1024xf32>
    %convert_element_type3A_186 = arith.truncf %reshape3A_185 : vector<16x1024xf32> to vector<16x1024xbf16>
    %convert_element_type3A_187 = arith.extf %convert_element_type3A_186 : vector<16x1024xbf16> to vector<16x1024xf32>
    %get3A_188 = arith.constant 0 : index
    %get3A_189 = arith.constant 10 : index
    %get3A_190 = vector.load %arg2[%get3A_188, %get3A_189] : memref<1x16xf32, #tpu.memory_space<vmem>>, vector<1x1xf32>
    %get3A_191 = vector.extract %get3A_190[0, 0] : f32 from vector<1x1xf32>
    %mul3A_192 = vector.broadcast %get3A_191 : f32 to vector<16x1024xf32>
    %mul3A_193 = arith.mulf %mul3A_192, %convert_element_type3A_187 : vector<16x1024xf32>
    %add3A_194 = arith.addf %add3A_176, %mul3A_193 : vector<16x1024xf32>
    %add3A_195 = arith.addf %add3A_177, %reshape3A_185 : vector<16x1024xf32>
    %get3A_196 = arith.constant 11 : index
    %get3A_197 = arith.constant 0 : index
    %get3A_198 = arith.constant 0 : index
    %get3A_199 = arith.constant 0 : index
    %get3A_200 = arith.constant 0 : index
    %get3A_201 = vector.load %arg1[%get3A_196, %get3A_197, %get3A_198, %get3A_199, %get3A_200] : memref<16x1x16x32x32xf32, #tpu.memory_space<vmem>>, vector<1x1x16x32x32xf32>
    %get3A_202 = vector.shape_cast %get3A_201 : vector<1x1x16x32x32xf32> to vector<16x32x32xf32>
    %reshape3A_203 = vector.shape_cast %get3A_202 : vector<16x32x32xf32> to vector<16x1024xf32>
    %convert_element_type3A_204 = arith.truncf %reshape3A_203 : vector<16x1024xf32> to vector<16x1024xbf16>
    %convert_element_type3A_205 = arith.extf %convert_element_type3A_204 : vector<16x1024xbf16> to vector<16x1024xf32>
    %get3A_206 = arith.constant 0 : index
    %get3A_207 = arith.constant 11 : index
    %get3A_208 = vector.load %arg2[%get3A_206, %get3A_207] : memref<1x16xf32, #tpu.memory_space<vmem>>, vector<1x1xf32>
    %get3A_209 = vector.extract %get3A_208[0, 0] : f32 from vector<1x1xf32>
    %mul3A_210 = vector.broadcast %get3A_209 : f32 to vector<16x1024xf32>
    %mul3A_211 = arith.mulf %mul3A_210, %convert_element_type3A_205 : vector<16x1024xf32>
    %add3A_212 = arith.addf %add3A_194, %mul3A_211 : vector<16x1024xf32>
    %add3A_213 = arith.addf %add3A_195, %reshape3A_203 : vector<16x1024xf32>
    %get3A_214 = arith.constant 12 : index
    %get3A_215 = arith.constant 0 : index
    %get3A_216 = arith.constant 0 : index
    %get3A_217 = arith.constant 0 : index
    %get3A_218 = arith.constant 0 : index
    %get3A_219 = vector.load %arg1[%get3A_214, %get3A_215, %get3A_216, %get3A_217, %get3A_218] : memref<16x1x16x32x32xf32, #tpu.memory_space<vmem>>, vector<1x1x16x32x32xf32>
    %get3A_220 = vector.shape_cast %get3A_219 : vector<1x1x16x32x32xf32> to vector<16x32x32xf32>
    %reshape3A_221 = vector.shape_cast %get3A_220 : vector<16x32x32xf32> to vector<16x1024xf32>
    %convert_element_type3A_222 = arith.truncf %reshape3A_221 : vector<16x1024xf32> to vector<16x1024xbf16>
    %convert_element_type3A_223 = arith.extf %convert_element_type3A_222 : vector<16x1024xbf16> to vector<16x1024xf32>
    %get3A_224 = arith.constant 0 : index
    %get3A_225 = arith.constant 12 : index
    %get3A_226 = vector.load %arg2[%get3A_224, %get3A_225] : memref<1x16xf32, #tpu.memory_space<vmem>>, vector<1x1xf32>
    %get3A_227 = vector.extract %get3A_226[0, 0] : f32 from vector<1x1xf32>
    %mul3A_228 = vector.broadcast %get3A_227 : f32 to vector<16x1024xf32>
    %mul3A_229 = arith.mulf %mul3A_228, %convert_element_type3A_223 : vector<16x1024xf32>
    %add3A_230 = arith.addf %add3A_212, %mul3A_229 : vector<16x1024xf32>
    %add3A_231 = arith.addf %add3A_213, %reshape3A_221 : vector<16x1024xf32>
    %get3A_232 = arith.constant 13 : index
    %get3A_233 = arith.constant 0 : index
    %get3A_234 = arith.constant 0 : index
    %get3A_235 = arith.constant 0 : index
    %get3A_236 = arith.constant 0 : index
    %get3A_237 = vector.load %arg1[%get3A_232, %get3A_233, %get3A_234, %get3A_235, %get3A_236] : memref<16x1x16x32x32xf32, #tpu.memory_space<vmem>>, vector<1x1x16x32x32xf32>
    %get3A_238 = vector.shape_cast %get3A_237 : vector<1x1x16x32x32xf32> to vector<16x32x32xf32>
    %reshape3A_239 = vector.shape_cast %get3A_238 : vector<16x32x32xf32> to vector<16x1024xf32>
    %convert_element_type3A_240 = arith.truncf %reshape3A_239 : vector<16x1024xf32> to vector<16x1024xbf16>
    %convert_element_type3A_241 = arith.extf %convert_element_type3A_240 : vector<16x1024xbf16> to vector<16x1024xf32>
    %get3A_242 = arith.constant 0 : index
    %get3A_243 = arith.constant 13 : index
    %get3A_244 = vector.load %arg2[%get3A_242, %get3A_243] : memref<1x16xf32, #tpu.memory_space<vmem>>, vector<1x1xf32>
    %get3A_245 = vector.extract %get3A_244[0, 0] : f32 from vector<1x1xf32>
    %mul3A_246 = vector.broadcast %get3A_245 : f32 to vector<16x1024xf32>
    %mul3A_247 = arith.mulf %mul3A_246, %convert_element_type3A_241 : vector<16x1024xf32>
    %add3A_248 = arith.addf %add3A_230, %mul3A_247 : vector<16x1024xf32>
    %add3A_249 = arith.addf %add3A_231, %reshape3A_239 : vector<16x1024xf32>
    %get3A_250 = arith.constant 14 : index
    %get3A_251 = arith.constant 0 : index
    %get3A_252 = arith.constant 0 : index
    %get3A_253 = arith.constant 0 : index
    %get3A_254 = arith.constant 0 : index
    %get3A_255 = vector.load %arg1[%get3A_250, %get3A_251, %get3A_252, %get3A_253, %get3A_254] : memref<16x1x16x32x32xf32, #tpu.memory_space<vmem>>, vector<1x1x16x32x32xf32>
    %get3A_256 = vector.shape_cast %get3A_255 : vector<1x1x16x32x32xf32> to vector<16x32x32xf32>
    %reshape3A_257 = vector.shape_cast %get3A_256 : vector<16x32x32xf32> to vector<16x1024xf32>
    %convert_element_type3A_258 = arith.truncf %reshape3A_257 : vector<16x1024xf32> to vector<16x1024xbf16>
    %convert_element_type3A_259 = arith.extf %convert_element_type3A_258 : vector<16x1024xbf16> to vector<16x1024xf32>
    %get3A_260 = arith.constant 0 : index
    %get3A_261 = arith.constant 14 : index
    %get3A_262 = vector.load %arg2[%get3A_260, %get3A_261] : memref<1x16xf32, #tpu.memory_space<vmem>>, vector<1x1xf32>
    %get3A_263 = vector.extract %get3A_262[0, 0] : f32 from vector<1x1xf32>
    %mul3A_264 = vector.broadcast %get3A_263 : f32 to vector<16x1024xf32>
    %mul3A_265 = arith.mulf %mul3A_264, %convert_element_type3A_259 : vector<16x1024xf32>
    %add3A_266 = arith.addf %add3A_248, %mul3A_265 : vector<16x1024xf32>
    %add3A_267 = arith.addf %add3A_249, %reshape3A_257 : vector<16x1024xf32>
    %get3A_268 = arith.constant 15 : index
    %get3A_269 = arith.constant 0 : index
    %get3A_270 = arith.constant 0 : index
    %get3A_271 = arith.constant 0 : index
    %get3A_272 = arith.constant 0 : index
    %get3A_273 = vector.load %arg1[%get3A_268, %get3A_269, %get3A_270, %get3A_271, %get3A_272] : memref<16x1x16x32x32xf32, #tpu.memory_space<vmem>>, vector<1x1x16x32x32xf32>
    %get3A_274 = vector.shape_cast %get3A_273 : vector<1x1x16x32x32xf32> to vector<16x32x32xf32>
    %reshape3A_275 = vector.shape_cast %get3A_274 : vector<16x32x32xf32> to vector<16x1024xf32>
    %convert_element_type3A_276 = arith.truncf %reshape3A_275 : vector<16x1024xf32> to vector<16x1024xbf16>
    %convert_element_type3A_277 = arith.extf %convert_element_type3A_276 : vector<16x1024xbf16> to vector<16x1024xf32>
    %get3A_278 = arith.constant 0 : index
    %get3A_279 = arith.constant 15 : index
    %get3A_280 = vector.load %arg2[%get3A_278, %get3A_279] : memref<1x16xf32, #tpu.memory_space<vmem>>, vector<1x1xf32>
    %get3A_281 = vector.extract %get3A_280[0, 0] : f32 from vector<1x1xf32>
    %mul3A_282 = vector.broadcast %get3A_281 : f32 to vector<16x1024xf32>
    %mul3A_283 = arith.mulf %mul3A_282, %convert_element_type3A_277 : vector<16x1024xf32>
    %add3A_284 = arith.addf %add3A_266, %mul3A_283 : vector<16x1024xf32>
    %add3A_285 = arith.addf %add3A_267, %reshape3A_275 : vector<16x1024xf32>
    %get3A_286 = arith.constant 0 : index
    %get3A_287 = arith.constant 0 : index
    %get3A_288 = vector.load %arg3[%get3A_286, %get3A_287] : memref<1x16xf32, #tpu.memory_space<vmem>>, vector<1x1xf32>
    %get3A_289 = vector.extract %get3A_288[0, 0] : f32 from vector<1x1xf32>
    %get3A_290 = arith.constant 0 : index
    %get3A_291 = arith.constant 1 : index
    %get3A_292 = vector.load %arg3[%get3A_290, %get3A_291] : memref<1x16xf32, #tpu.memory_space<vmem>>, vector<1x1xf32>
    %get3A_293 = vector.extract %get3A_292[0, 0] : f32 from vector<1x1xf32>
    %mul3A_294 = vector.broadcast %get3A_289 : f32 to vector<16x1024xf32>
    %mul3A_295 = arith.mulf %mul3A_294, %add3A_284 : vector<16x1024xf32>
    %mul3A_296 = vector.broadcast %get3A_293 : f32 to vector<16x1024xf32>
    %mul3A_297 = arith.mulf %mul3A_296, %add3A_285 : vector<16x1024xf32>
    %div3A = arith.constant 1.600000e+01 : f32
    %div3A_298 = vector.broadcast %div3A : f32 to vector<16x1024xf32>
    %div3A_299 = arith.divf %mul3A_297, %div3A_298 : vector<16x1024xf32>
    %add3A_300 = arith.addf %mul3A_295, %div3A_299 : vector<16x1024xf32>
    %swap3A = arith.constant 0 : index
    %swap3A_301 = arith.constant 0 : index
    %swap3A_302 = vector.load %arg6[%swap3A, %swap3A_301] : memref<16x1024xf32, #tpu.memory_space<vmem>>, vector<16x1024xf32>
    tpu.vector_store %arg6[%swap3A, %swap3A_301], %add3A_300 {strides = array<i32>} : memref<16x1024xf32, #tpu.memory_space<vmem>>, vector<16x1024xf32>,
    %convert_element_type3A_303 = arith.truncf %add3A_300 : vector<16x1024xf32> to vector<16x1024xbf16>
    %convert_element_type3A_304 = arith.extf %convert_element_type3A_303 : vector<16x1024xbf16> to vector<16x1024xf32>
    %mul3A_305 = arith.mulf %add3A_300, %add3A_300 : vector<16x1024xf32>
    %reduce_sum3A = arith.constant dense<0.000000e+00> : vector<1024xf32>
    %reduce_sum3A_306 = vector.multi_reduction <add>, %mul3A_305, %reduce_sum3A [0] : vector<16x1024xf32> to vector<1024xf32>
    %broadcast_in_dim3A_307 = vector.shape_cast %reduce_sum3A_306 : vector<1024xf32> to vector<1x1024xf32>
    %broadcast_in_dim3A_308 = arith.constant 0x7F800000 : f32
    %broadcast_in_dim3A_309 = vector.broadcast %broadcast_in_dim3A_308 : f32 to vector<1x1024xf32>
    %broadcast_in_dim3A_310 = arith.constant 0 : i32
    %broadcast_in_dim3A_311 = vector.broadcast %broadcast_in_dim3A_310 : i32 to vector<1x1024xi32>
    %get3A_312 = arith.constant 0 : index
    %get3A_313 = arith.constant 0 : index
    %get3A_314 = vector.load %arg4[%get3A_312, %get3A_313] : memref<8192x16xf32, #tpu.memory_space<vmem>>, vector<512x16xf32>
    %mul3A_315 = arith.mulf %get3A_314, %get3A_314 : vector<512x16xf32>
    %reduce_sum3A_316 = arith.constant dense<0.000000e+00> : vector<512xf32>
    %reduce_sum3A_317 = vector.multi_reduction <add>, %mul3A_315, %reduce_sum3A_316 [1] : vector<512x16xf32> to vector<512xf32>
    %broadcast_in_dim3A_318 = vector.shape_cast %reduce_sum3A_317 : vector<512xf32> to vector<512x1xf32>
    %add3A_319 = vector.broadcast %broadcast_in_dim3A_307 : vector<1x1024xf32> to vector<512x1024xf32>
    %add3A_320 = vector.broadcast %broadcast_in_dim3A_318 : vector<512x1xf32> to vector<512x1024xf32>
    %add3A_321 = arith.addf %add3A_319, %add3A_320 : vector<512x1024xf32>
    %convert_element_type3A_322 = arith.truncf %get3A_314 : vector<512x16xf32> to vector<512x16xbf16>
    %convert_element_type3A_323 = arith.truncf %convert_element_type3A_304 : vector<16x1024xf32> to vector<16x1024xbf16>
    %dot_general3A = arith.constant dense<0.000000e+00> : vector<512x1024xf32>
    %dot_general3A_324 = tpu.matmul %convert_element_type3A_322, %convert_element_type3A_323, %dot_general3A {dimension_numbers = #tpu.dot_dimension_numbers<[1], [0], [0], [1], [0, 0, 1, 1], [], []>, transpose_lhs_hint = false} : vector<512x16xbf16>, vector<16x1024xbf16>, vector<512x1024xf32> -> vector<512x1024xf32>
    %mul3A_325 = arith.constant 2.000000e+00 : f32
    %mul3A_326 = vector.broadcast %mul3A_325 : f32 to vector<512x1024xf32>
    %mul3A_327 = arith.mulf %mul3A_326, %dot_general3A_324 : vector<512x1024xf32>
    %sub3A = arith.subf %add3A_321, %mul3A_327 : vector<512x1024xf32>
    %reduce_min3A = arith.constant dense<0x7F800000> : vector<1024xf32>
    %reduce_min3A_328 = vector.multi_reduction <minimumf>, %sub3A, %reduce_min3A [0] : vector<512x1024xf32> to vector<1024xf32>
    %broadcast_in_dim3A_329 = vector.shape_cast %reduce_min3A_328 : vector<1024xf32> to vector<1x1024xf32>
    %iota3A = tpu.iota {dimensions = array<i32: 0>} : vector<512x1024xi32>
    %eq3A = vector.broadcast %broadcast_in_dim3A_329 : vector<1x1024xf32> to vector<512x1024xf32>
    %eq3A_330 = arith.cmpf oeq, %sub3A, %eq3A : vector<512x1024xf32>
    %jit3A = arith.constant 8192 : i32
    %broadcast_in_dim3A_331 = vector.broadcast %jit3A : i32 to vector<512x1024xi32>
    %select_n3A = arith.select %eq3A_330, %iota3A, %broadcast_in_dim3A_331 : vector<512x1024xi1>, vector<512x1024xi32>
    %reduce_min3A_332 = arith.constant dense<2147483647> : vector<1024xi32>
    %reduce_min3A_333 = vector.multi_reduction <minsi>, %select_n3A, %reduce_min3A_332 [0] : vector<512x1024xi32> to vector<1024xi32>
    %broadcast_in_dim3A_334 = vector.shape_cast %reduce_min3A_333 : vector<1024xi32> to vector<1x1024xi32>
    %add3A_335 = arith.constant 0 : i32
    %add3A_336 = vector.broadcast %add3A_335 : i32 to vector<1x1024xi32>
    %add3A_337 = arith.addi %broadcast_in_dim3A_334, %add3A_336 : vector<1x1024xi32>
    %lt3A = arith.cmpf olt, %broadcast_in_dim3A_329, %broadcast_in_dim3A_309 : vector<1x1024xf32>
    %select_n3A_338 = arith.select %lt3A, %add3A_337, %broadcast_in_dim3A_311 : vector<1x1024xi1>, vector<1x1024xi32>
    %select_n3A_339 = arith.select %lt3A, %broadcast_in_dim3A_329, %broadcast_in_dim3A_309 : vector<1x1024xi1>, vector<1x1024xf32>
    %get3A_340 = arith.constant 512 : index
    %get3A_341 = arith.constant 0 : index
    %get3A_342 = vector.load %arg4[%get3A_340, %get3A_341] : memref<8192x16xf32, #tpu.memory_space<vmem>>, vector<512x16xf32>
    %mul3A_343 = arith.mulf %get3A_342, %get3A_342 : vector<512x16xf32>
    %reduce_sum3A_344 = arith.constant dense<0.000000e+00> : vector<512xf32>
    %reduce_sum3A_345 = vector.multi_reduction <add>, %mul3A_343, %reduce_sum3A_344 [1] : vector<512x16xf32> to vector<512xf32>
    %broadcast_in_dim3A_346 = vector.shape_cast %reduce_sum3A_345 : vector<512xf32> to vector<512x1xf32>
    %add3A_347 = vector.broadcast %broadcast_in_dim3A_307 : vector<1x1024xf32> to vector<512x1024xf32>
    %add3A_348 = vector.broadcast %broadcast_in_dim3A_346 : vector<512x1xf32> to vector<512x1024xf32>
    %add3A_349 = arith.addf %add3A_347, %add3A_348 : vector<512x1024xf32>
    %convert_element_type3A_350 = arith.truncf %get3A_342 : vector<512x16xf32> to vector<512x16xbf16>
    %convert_element_type3A_351 = arith.truncf %convert_element_type3A_304 : vector<16x1024xf32> to vector<16x1024xbf16>
    %dot_general3A_352 = arith.constant dense<0.000000e+00> : vector<512x1024xf32>
    %dot_general3A_353 = tpu.matmul %convert_element_type3A_350, %convert_element_type3A_351, %dot_general3A_352 {dimension_numbers = #tpu.dot_dimension_numbers<[1], [0], [0], [1], [0, 0, 1, 1], [], []>, transpose_lhs_hint = false} : vector<512x16xbf16>, vector<16x1024xbf16>, vector<512x1024xf32> -> vector<512x1024xf32>
    %mul3A_354 = arith.constant 2.000000e+00 : f32
    %mul3A_355 = vector.broadcast %mul3A_354 : f32 to vector<512x1024xf32>
    %mul3A_356 = arith.mulf %mul3A_355, %dot_general3A_353 : vector<512x1024xf32>
    %sub3A_357 = arith.subf %add3A_349, %mul3A_356 : vector<512x1024xf32>
    %reduce_min3A_358 = arith.constant dense<0x7F800000> : vector<1024xf32>
    %reduce_min3A_359 = vector.multi_reduction <minimumf>, %sub3A_357, %reduce_min3A_358 [0] : vector<512x1024xf32> to vector<1024xf32>
    %broadcast_in_dim3A_360 = vector.shape_cast %reduce_min3A_359 : vector<1024xf32> to vector<1x1024xf32>
    %iota3A_361 = tpu.iota {dimensions = array<i32: 0>} : vector<512x1024xi32>
    %eq3A_362 = vector.broadcast %broadcast_in_dim3A_360 : vector<1x1024xf32> to vector<512x1024xf32>
    %eq3A_363 = arith.cmpf oeq, %sub3A_357, %eq3A_362 : vector<512x1024xf32>
    %jit3A_364 = arith.constant 8192 : i32
    %broadcast_in_dim3A_365 = vector.broadcast %jit3A_364 : i32 to vector<512x1024xi32>
    %select_n3A_366 = arith.select %eq3A_363, %iota3A_361, %broadcast_in_dim3A_365 : vector<512x1024xi1>, vector<512x1024xi32>
    %reduce_min3A_367 = arith.constant dense<2147483647> : vector<1024xi32>
    %reduce_min3A_368 = vector.multi_reduction <minsi>, %select_n3A_366, %reduce_min3A_367 [0] : vector<512x1024xi32> to vector<1024xi32>
    %broadcast_in_dim3A_369 = vector.shape_cast %reduce_min3A_368 : vector<1024xi32> to vector<1x1024xi32>
    %add3A_370 = arith.constant 512 : i32
    %add3A_371 = vector.broadcast %add3A_370 : i32 to vector<1x1024xi32>
    %add3A_372 = arith.addi %broadcast_in_dim3A_369, %add3A_371 : vector<1x1024xi32>
    %lt3A_373 = arith.cmpf olt, %broadcast_in_dim3A_360, %select_n3A_339 : vector<1x1024xf32>
    %select_n3A_374 = arith.select %lt3A_373, %add3A_372, %select_n3A_338 : vector<1x1024xi1>, vector<1x1024xi32>
    %select_n3A_375 = arith.select %lt3A_373, %broadcast_in_dim3A_360, %select_n3A_339 : vector<1x1024xi1>, vector<1x1024xf32>
    %get3A_376 = arith.constant 1024 : index
    %get3A_377 = arith.constant 0 : index
    %get3A_378 = vector.load %arg4[%get3A_376, %get3A_377] : memref<8192x16xf32, #tpu.memory_space<vmem>>, vector<512x16xf32>
    %mul3A_379 = arith.mulf %get3A_378, %get3A_378 : vector<512x16xf32>
    %reduce_sum3A_380 = arith.constant dense<0.000000e+00> : vector<512xf32>
    %reduce_sum3A_381 = vector.multi_reduction <add>, %mul3A_379, %reduce_sum3A_380 [1] : vector<512x16xf32> to vector<512xf32>
    %broadcast_in_dim3A_382 = vector.shape_cast %reduce_sum3A_381 : vector<512xf32> to vector<512x1xf32>
    %add3A_383 = vector.broadcast %broadcast_in_dim3A_307 : vector<1x1024xf32> to vector<512x1024xf32>
    %add3A_384 = vector.broadcast %broadcast_in_dim3A_382 : vector<512x1xf32> to vector<512x1024xf32>
    %add3A_385 = arith.addf %add3A_383, %add3A_384 : vector<512x1024xf32>
    %convert_element_type3A_386 = arith.truncf %get3A_378 : vector<512x16xf32> to vector<512x16xbf16>
    %convert_element_type3A_387 = arith.truncf %convert_element_type3A_304 : vector<16x1024xf32> to vector<16x1024xbf16>
    %dot_general3A_388 = arith.constant dense<0.000000e+00> : vector<512x1024xf32>
    %dot_general3A_389 = tpu.matmul %convert_element_type3A_386, %convert_element_type3A_387, %dot_general3A_388 {dimension_numbers = #tpu.dot_dimension_numbers<[1], [0], [0], [1], [0, 0, 1, 1], [], []>, transpose_lhs_hint = false} : vector<512x16xbf16>, vector<16x1024xbf16>, vector<512x1024xf32> -> vector<512x1024xf32>
    %mul3A_390 = arith.constant 2.000000e+00 : f32
    %mul3A_391 = vector.broadcast %mul3A_390 : f32 to vector<512x1024xf32>
    %mul3A_392 = arith.mulf %mul3A_391, %dot_general3A_389 : vector<512x1024xf32>
    %sub3A_393 = arith.subf %add3A_385, %mul3A_392 : vector<512x1024xf32>
    %reduce_min3A_394 = arith.constant dense<0x7F800000> : vector<1024xf32>
    %reduce_min3A_395 = vector.multi_reduction <minimumf>, %sub3A_393, %reduce_min3A_394 [0] : vector<512x1024xf32> to vector<1024xf32>
    %broadcast_in_dim3A_396 = vector.shape_cast %reduce_min3A_395 : vector<1024xf32> to vector<1x1024xf32>
    %iota3A_397 = tpu.iota {dimensions = array<i32: 0>} : vector<512x1024xi32>
    %eq3A_398 = vector.broadcast %broadcast_in_dim3A_396 : vector<1x1024xf32> to vector<512x1024xf32>
    %eq3A_399 = arith.cmpf oeq, %sub3A_393, %eq3A_398 : vector<512x1024xf32>
    %jit3A_400 = arith.constant 8192 : i32
    %broadcast_in_dim3A_401 = vector.broadcast %jit3A_400 : i32 to vector<512x1024xi32>
    %select_n3A_402 = arith.select %eq3A_399, %iota3A_397, %broadcast_in_dim3A_401 : vector<512x1024xi1>, vector<512x1024xi32>
    %reduce_min3A_403 = arith.constant dense<2147483647> : vector<1024xi32>
    %reduce_min3A_404 = vector.multi_reduction <minsi>, %select_n3A_402, %reduce_min3A_403 [0] : vector<512x1024xi32> to vector<1024xi32>
    %broadcast_in_dim3A_405 = vector.shape_cast %reduce_min3A_404 : vector<1024xi32> to vector<1x1024xi32>
    %add3A_406 = arith.constant 1024 : i32
    %add3A_407 = vector.broadcast %add3A_406 : i32 to vector<1x1024xi32>
    %add3A_408 = arith.addi %broadcast_in_dim3A_405, %add3A_407 : vector<1x1024xi32>
    %lt3A_409 = arith.cmpf olt, %broadcast_in_dim3A_396, %select_n3A_375 : vector<1x1024xf32>
    %select_n3A_410 = arith.select %lt3A_409, %add3A_408, %select_n3A_374 : vector<1x1024xi1>, vector<1x1024xi32>
    %select_n3A_411 = arith.select %lt3A_409, %broadcast_in_dim3A_396, %select_n3A_375 : vector<1x1024xi1>, vector<1x1024xf32>
    %get3A_412 = arith.constant 1536 : index
    %get3A_413 = arith.constant 0 : index
    %get3A_414 = vector.load %arg4[%get3A_412, %get3A_413] : memref<8192x16xf32, #tpu.memory_space<vmem>>, vector<512x16xf32>
    %mul3A_415 = arith.mulf %get3A_414, %get3A_414 : vector<512x16xf32>
    %reduce_sum3A_416 = arith.constant dense<0.000000e+00> : vector<512xf32>
    %reduce_sum3A_417 = vector.multi_reduction <add>, %mul3A_415, %reduce_sum3A_416 [1] : vector<512x16xf32> to vector<512xf32>
    %broadcast_in_dim3A_418 = vector.shape_cast %reduce_sum3A_417 : vector<512xf32> to vector<512x1xf32>
    %add3A_419 = vector.broadcast %broadcast_in_dim3A_307 : vector<1x1024xf32> to vector<512x1024xf32>
    %add3A_420 = vector.broadcast %broadcast_in_dim3A_418 : vector<512x1xf32> to vector<512x1024xf32>
    %add3A_421 = arith.addf %add3A_419, %add3A_420 : vector<512x1024xf32>
    %convert_element_type3A_422 = arith.truncf %get3A_414 : vector<512x16xf32> to vector<512x16xbf16>
    %convert_element_type3A_423 = arith.truncf %convert_element_type3A_304 : vector<16x1024xf32> to vector<16x1024xbf16>
    %dot_general3A_424 = arith.constant dense<0.000000e+00> : vector<512x1024xf32>
    %dot_general3A_425 = tpu.matmul %convert_element_type3A_422, %convert_element_type3A_423, %dot_general3A_424 {dimension_numbers = #tpu.dot_dimension_numbers<[1], [0], [0], [1], [0, 0, 1, 1], [], []>, transpose_lhs_hint = false} : vector<512x16xbf16>, vector<16x1024xbf16>, vector<512x1024xf32> -> vector<512x1024xf32>
    %mul3A_426 = arith.constant 2.000000e+00 : f32
    %mul3A_427 = vector.broadcast %mul3A_426 : f32 to vector<512x1024xf32>
    %mul3A_428 = arith.mulf %mul3A_427, %dot_general3A_425 : vector<512x1024xf32>
    %sub3A_429 = arith.subf %add3A_421, %mul3A_428 : vector<512x1024xf32>
    %reduce_min3A_430 = arith.constant dense<0x7F800000> : vector<1024xf32>
    %reduce_min3A_431 = vector.multi_reduction <minimumf>, %sub3A_429, %reduce_min3A_430 [0] : vector<512x1024xf32> to vector<1024xf32>
    %broadcast_in_dim3A_432 = vector.shape_cast %reduce_min3A_431 : vector<1024xf32> to vector<1x1024xf32>
    %iota3A_433 = tpu.iota {dimensions = array<i32: 0>} : vector<512x1024xi32>
    %eq3A_434 = vector.broadcast %broadcast_in_dim3A_432 : vector<1x1024xf32> to vector<512x1024xf32>
    %eq3A_435 = arith.cmpf oeq, %sub3A_429, %eq3A_434 : vector<512x1024xf32>
    %jit3A_436 = arith.constant 8192 : i32
    %broadcast_in_dim3A_437 = vector.broadcast %jit3A_436 : i32 to vector<512x1024xi32>
    %select_n3A_438 = arith.select %eq3A_435, %iota3A_433, %broadcast_in_dim3A_437 : vector<512x1024xi1>, vector<512x1024xi32>
    %reduce_min3A_439 = arith.constant dense<2147483647> : vector<1024xi32>
    %reduce_min3A_440 = vector.multi_reduction <minsi>, %select_n3A_438, %reduce_min3A_439 [0] : vector<512x1024xi32> to vector<1024xi32>
    %broadcast_in_dim3A_441 = vector.shape_cast %reduce_min3A_440 : vector<1024xi32> to vector<1x1024xi32>
    %add3A_442 = arith.constant 1536 : i32
    %add3A_443 = vector.broadcast %add3A_442 : i32 to vector<1x1024xi32>
    %add3A_444 = arith.addi %broadcast_in_dim3A_441, %add3A_443 : vector<1x1024xi32>
    %lt3A_445 = arith.cmpf olt, %broadcast_in_dim3A_432, %select_n3A_411 : vector<1x1024xf32>
    %select_n3A_446 = arith.select %lt3A_445, %add3A_444, %select_n3A_410 : vector<1x1024xi1>, vector<1x1024xi32>
    %select_n3A_447 = arith.select %lt3A_445, %broadcast_in_dim3A_432, %select_n3A_411 : vector<1x1024xi1>, vector<1x1024xf32>
    %get3A_448 = arith.constant 2048 : index
    %get3A_449 = arith.constant 0 : index
    %get3A_450 = vector.load %arg4[%get3A_448, %get3A_449] : memref<8192x16xf32, #tpu.memory_space<vmem>>, vector<512x16xf32>
    %mul3A_451 = arith.mulf %get3A_450, %get3A_450 : vector<512x16xf32>
    %reduce_sum3A_452 = arith.constant dense<0.000000e+00> : vector<512xf32>
    %reduce_sum3A_453 = vector.multi_reduction <add>, %mul3A_451, %reduce_sum3A_452 [1] : vector<512x16xf32> to vector<512xf32>
    %broadcast_in_dim3A_454 = vector.shape_cast %reduce_sum3A_453 : vector<512xf32> to vector<512x1xf32>
    %add3A_455 = vector.broadcast %broadcast_in_dim3A_307 : vector<1x1024xf32> to vector<512x1024xf32>
    %add3A_456 = vector.broadcast %broadcast_in_dim3A_454 : vector<512x1xf32> to vector<512x1024xf32>
    %add3A_457 = arith.addf %add3A_455, %add3A_456 : vector<512x1024xf32>
    %convert_element_type3A_458 = arith.truncf %get3A_450 : vector<512x16xf32> to vector<512x16xbf16>
    %convert_element_type3A_459 = arith.truncf %convert_element_type3A_304 : vector<16x1024xf32> to vector<16x1024xbf16>
    %dot_general3A_460 = arith.constant dense<0.000000e+00> : vector<512x1024xf32>
    %dot_general3A_461 = tpu.matmul %convert_element_type3A_458, %convert_element_type3A_459, %dot_general3A_460 {dimension_numbers = #tpu.dot_dimension_numbers<[1], [0], [0], [1], [0, 0, 1, 1], [], []>, transpose_lhs_hint = false} : vector<512x16xbf16>, vector<16x1024xbf16>, vector<512x1024xf32> -> vector<512x1024xf32>
    %mul3A_462 = arith.constant 2.000000e+00 : f32
    %mul3A_463 = vector.broadcast %mul3A_462 : f32 to vector<512x1024xf32>
    %mul3A_464 = arith.mulf %mul3A_463, %dot_general3A_461 : vector<512x1024xf32>
    %sub3A_465 = arith.subf %add3A_457, %mul3A_464 : vector<512x1024xf32>
    %reduce_min3A_466 = arith.constant dense<0x7F800000> : vector<1024xf32>
    %reduce_min3A_467 = vector.multi_reduction <minimumf>, %sub3A_465, %reduce_min3A_466 [0] : vector<512x1024xf32> to vector<1024xf32>
    %broadcast_in_dim3A_468 = vector.shape_cast %reduce_min3A_467 : vector<1024xf32> to vector<1x1024xf32>
    %iota3A_469 = tpu.iota {dimensions = array<i32: 0>} : vector<512x1024xi32>
    %eq3A_470 = vector.broadcast %broadcast_in_dim3A_468 : vector<1x1024xf32> to vector<512x1024xf32>
    %eq3A_471 = arith.cmpf oeq, %sub3A_465, %eq3A_470 : vector<512x1024xf32>
    %jit3A_472 = arith.constant 8192 : i32
    %broadcast_in_dim3A_473 = vector.broadcast %jit3A_472 : i32 to vector<512x1024xi32>
    %select_n3A_474 = arith.select %eq3A_471, %iota3A_469, %broadcast_in_dim3A_473 : vector<512x1024xi1>, vector<512x1024xi32>
    %reduce_min3A_475 = arith.constant dense<2147483647> : vector<1024xi32>
    %reduce_min3A_476 = vector.multi_reduction <minsi>, %select_n3A_474, %reduce_min3A_475 [0] : vector<512x1024xi32> to vector<1024xi32>
    %broadcast_in_dim3A_477 = vector.shape_cast %reduce_min3A_476 : vector<1024xi32> to vector<1x1024xi32>
    %add3A_478 = arith.constant 2048 : i32
    %add3A_479 = vector.broadcast %add3A_478 : i32 to vector<1x1024xi32>
    %add3A_480 = arith.addi %broadcast_in_dim3A_477, %add3A_479 : vector<1x1024xi32>
    %lt3A_481 = arith.cmpf olt, %broadcast_in_dim3A_468, %select_n3A_447 : vector<1x1024xf32>
    %select_n3A_482 = arith.select %lt3A_481, %add3A_480, %select_n3A_446 : vector<1x1024xi1>, vector<1x1024xi32>
    %select_n3A_483 = arith.select %lt3A_481, %broadcast_in_dim3A_468, %select_n3A_447 : vector<1x1024xi1>, vector<1x1024xf32>
    %get3A_484 = arith.constant 2560 : index
    %get3A_485 = arith.constant 0 : index
    %get3A_486 = vector.load %arg4[%get3A_484, %get3A_485] : memref<8192x16xf32, #tpu.memory_space<vmem>>, vector<512x16xf32>
    %mul3A_487 = arith.mulf %get3A_486, %get3A_486 : vector<512x16xf32>
    %reduce_sum3A_488 = arith.constant dense<0.000000e+00> : vector<512xf32>
    %reduce_sum3A_489 = vector.multi_reduction <add>, %mul3A_487, %reduce_sum3A_488 [1] : vector<512x16xf32> to vector<512xf32>
    %broadcast_in_dim3A_490 = vector.shape_cast %reduce_sum3A_489 : vector<512xf32> to vector<512x1xf32>
    %add3A_491 = vector.broadcast %broadcast_in_dim3A_307 : vector<1x1024xf32> to vector<512x1024xf32>
    %add3A_492 = vector.broadcast %broadcast_in_dim3A_490 : vector<512x1xf32> to vector<512x1024xf32>
    %add3A_493 = arith.addf %add3A_491, %add3A_492 : vector<512x1024xf32>
    %convert_element_type3A_494 = arith.truncf %get3A_486 : vector<512x16xf32> to vector<512x16xbf16>
    %convert_element_type3A_495 = arith.truncf %convert_element_type3A_304 : vector<16x1024xf32> to vector<16x1024xbf16>
    %dot_general3A_496 = arith.constant dense<0.000000e+00> : vector<512x1024xf32>
    %dot_general3A_497 = tpu.matmul %convert_element_type3A_494, %convert_element_type3A_495, %dot_general3A_496 {dimension_numbers = #tpu.dot_dimension_numbers<[1], [0], [0], [1], [0, 0, 1, 1], [], []>, transpose_lhs_hint = false} : vector<512x16xbf16>, vector<16x1024xbf16>, vector<512x1024xf32> -> vector<512x1024xf32>
    %mul3A_498 = arith.constant 2.000000e+00 : f32
    %mul3A_499 = vector.broadcast %mul3A_498 : f32 to vector<512x1024xf32>
    %mul3A_500 = arith.mulf %mul3A_499, %dot_general3A_497 : vector<512x1024xf32>
    %sub3A_501 = arith.subf %add3A_493, %mul3A_500 : vector<512x1024xf32>
    %reduce_min3A_502 = arith.constant dense<0x7F800000> : vector<1024xf32>
    %reduce_min3A_503 = vector.multi_reduction <minimumf>, %sub3A_501, %reduce_min3A_502 [0] : vector<512x1024xf32> to vector<1024xf32>
    %broadcast_in_dim3A_504 = vector.shape_cast %reduce_min3A_503 : vector<1024xf32> to vector<1x1024xf32>
    %iota3A_505 = tpu.iota {dimensions = array<i32: 0>} : vector<512x1024xi32>
    %eq3A_506 = vector.broadcast %broadcast_in_dim3A_504 : vector<1x1024xf32> to vector<512x1024xf32>
    %eq3A_507 = arith.cmpf oeq, %sub3A_501, %eq3A_506 : vector<512x1024xf32>
    %jit3A_508 = arith.constant 8192 : i32
    %broadcast_in_dim3A_509 = vector.broadcast %jit3A_508 : i32 to vector<512x1024xi32>
    %select_n3A_510 = arith.select %eq3A_507, %iota3A_505, %broadcast_in_dim3A_509 : vector<512x1024xi1>, vector<512x1024xi32>
    %reduce_min3A_511 = arith.constant dense<2147483647> : vector<1024xi32>
    %reduce_min3A_512 = vector.multi_reduction <minsi>, %select_n3A_510, %reduce_min3A_511 [0] : vector<512x1024xi32> to vector<1024xi32>
    %broadcast_in_dim3A_513 = vector.shape_cast %reduce_min3A_512 : vector<1024xi32> to vector<1x1024xi32>
    %add3A_514 = arith.constant 2560 : i32
    %add3A_515 = vector.broadcast %add3A_514 : i32 to vector<1x1024xi32>
    %add3A_516 = arith.addi %broadcast_in_dim3A_513, %add3A_515 : vector<1x1024xi32>
    %lt3A_517 = arith.cmpf olt, %broadcast_in_dim3A_504, %select_n3A_483 : vector<1x1024xf32>
    %select_n3A_518 = arith.select %lt3A_517, %add3A_516, %select_n3A_482 : vector<1x1024xi1>, vector<1x1024xi32>
    %select_n3A_519 = arith.select %lt3A_517, %broadcast_in_dim3A_504, %select_n3A_483 : vector<1x1024xi1>, vector<1x1024xf32>
    %get3A_520 = arith.constant 3072 : index
    %get3A_521 = arith.constant 0 : index
    %get3A_522 = vector.load %arg4[%get3A_520, %get3A_521] : memref<8192x16xf32, #tpu.memory_space<vmem>>, vector<512x16xf32>
    %mul3A_523 = arith.mulf %get3A_522, %get3A_522 : vector<512x16xf32>
    %reduce_sum3A_524 = arith.constant dense<0.000000e+00> : vector<512xf32>
    %reduce_sum3A_525 = vector.multi_reduction <add>, %mul3A_523, %reduce_sum3A_524 [1] : vector<512x16xf32> to vector<512xf32>
    %broadcast_in_dim3A_526 = vector.shape_cast %reduce_sum3A_525 : vector<512xf32> to vector<512x1xf32>
    %add3A_527 = vector.broadcast %broadcast_in_dim3A_307 : vector<1x1024xf32> to vector<512x1024xf32>
    %add3A_528 = vector.broadcast %broadcast_in_dim3A_526 : vector<512x1xf32> to vector<512x1024xf32>
    %add3A_529 = arith.addf %add3A_527, %add3A_528 : vector<512x1024xf32>
    %convert_element_type3A_530 = arith.truncf %get3A_522 : vector<512x16xf32> to vector<512x16xbf16>
    %convert_element_type3A_531 = arith.truncf %convert_element_type3A_304 : vector<16x1024xf32> to vector<16x1024xbf16>
    %dot_general3A_532 = arith.constant dense<0.000000e+00> : vector<512x1024xf32>
    %dot_general3A_533 = tpu.matmul %convert_element_type3A_530, %convert_element_type3A_531, %dot_general3A_532 {dimension_numbers = #tpu.dot_dimension_numbers<[1], [0], [0], [1], [0, 0, 1, 1], [], []>, transpose_lhs_hint = false} : vector<512x16xbf16>, vector<16x1024xbf16>, vector<512x1024xf32> -> vector<512x1024xf32>
    %mul3A_534 = arith.constant 2.000000e+00 : f32
    %mul3A_535 = vector.broadcast %mul3A_534 : f32 to vector<512x1024xf32>
    %mul3A_536 = arith.mulf %mul3A_535, %dot_general3A_533 : vector<512x1024xf32>
    %sub3A_537 = arith.subf %add3A_529, %mul3A_536 : vector<512x1024xf32>
    %reduce_min3A_538 = arith.constant dense<0x7F800000> : vector<1024xf32>
    %reduce_min3A_539 = vector.multi_reduction <minimumf>, %sub3A_537, %reduce_min3A_538 [0] : vector<512x1024xf32> to vector<1024xf32>
    %broadcast_in_dim3A_540 = vector.shape_cast %reduce_min3A_539 : vector<1024xf32> to vector<1x1024xf32>
    %iota3A_541 = tpu.iota {dimensions = array<i32: 0>} : vector<512x1024xi32>
    %eq3A_542 = vector.broadcast %broadcast_in_dim3A_540 : vector<1x1024xf32> to vector<512x1024xf32>
    %eq3A_543 = arith.cmpf oeq, %sub3A_537, %eq3A_542 : vector<512x1024xf32>
    %jit3A_544 = arith.constant 8192 : i32
    %broadcast_in_dim3A_545 = vector.broadcast %jit3A_544 : i32 to vector<512x1024xi32>
    %select_n3A_546 = arith.select %eq3A_543, %iota3A_541, %broadcast_in_dim3A_545 : vector<512x1024xi1>, vector<512x1024xi32>
    %reduce_min3A_547 = arith.constant dense<2147483647> : vector<1024xi32>
    %reduce_min3A_548 = vector.multi_reduction <minsi>, %select_n3A_546, %reduce_min3A_547 [0] : vector<512x1024xi32> to vector<1024xi32>
    %broadcast_in_dim3A_549 = vector.shape_cast %reduce_min3A_548 : vector<1024xi32> to vector<1x1024xi32>
    %add3A_550 = arith.constant 3072 : i32
    %add3A_551 = vector.broadcast %add3A_550 : i32 to vector<1x1024xi32>
    %add3A_552 = arith.addi %broadcast_in_dim3A_549, %add3A_551 : vector<1x1024xi32>
    %lt3A_553 = arith.cmpf olt, %broadcast_in_dim3A_540, %select_n3A_519 : vector<1x1024xf32>
    %select_n3A_554 = arith.select %lt3A_553, %add3A_552, %select_n3A_518 : vector<1x1024xi1>, vector<1x1024xi32>
    %select_n3A_555 = arith.select %lt3A_553, %broadcast_in_dim3A_540, %select_n3A_519 : vector<1x1024xi1>, vector<1x1024xf32>
    %get3A_556 = arith.constant 3584 : index
    %get3A_557 = arith.constant 0 : index
    %get3A_558 = vector.load %arg4[%get3A_556, %get3A_557] : memref<8192x16xf32, #tpu.memory_space<vmem>>, vector<512x16xf32>
    %mul3A_559 = arith.mulf %get3A_558, %get3A_558 : vector<512x16xf32>
    %reduce_sum3A_560 = arith.constant dense<0.000000e+00> : vector<512xf32>
    %reduce_sum3A_561 = vector.multi_reduction <add>, %mul3A_559, %reduce_sum3A_560 [1] : vector<512x16xf32> to vector<512xf32>
    %broadcast_in_dim3A_562 = vector.shape_cast %reduce_sum3A_561 : vector<512xf32> to vector<512x1xf32>
    %add3A_563 = vector.broadcast %broadcast_in_dim3A_307 : vector<1x1024xf32> to vector<512x1024xf32>
    %add3A_564 = vector.broadcast %broadcast_in_dim3A_562 : vector<512x1xf32> to vector<512x1024xf32>
    %add3A_565 = arith.addf %add3A_563, %add3A_564 : vector<512x1024xf32>
    %convert_element_type3A_566 = arith.truncf %get3A_558 : vector<512x16xf32> to vector<512x16xbf16>
    %convert_element_type3A_567 = arith.truncf %convert_element_type3A_304 : vector<16x1024xf32> to vector<16x1024xbf16>
    %dot_general3A_568 = arith.constant dense<0.000000e+00> : vector<512x1024xf32>
    %dot_general3A_569 = tpu.matmul %convert_element_type3A_566, %convert_element_type3A_567, %dot_general3A_568 {dimension_numbers = #tpu.dot_dimension_numbers<[1], [0], [0], [1], [0, 0, 1, 1], [], []>, transpose_lhs_hint = false} : vector<512x16xbf16>, vector<16x1024xbf16>, vector<512x1024xf32> -> vector<512x1024xf32>
    %mul3A_570 = arith.constant 2.000000e+00 : f32
    %mul3A_571 = vector.broadcast %mul3A_570 : f32 to vector<512x1024xf32>
    %mul3A_572 = arith.mulf %mul3A_571, %dot_general3A_569 : vector<512x1024xf32>
    %sub3A_573 = arith.subf %add3A_565, %mul3A_572 : vector<512x1024xf32>
    %reduce_min3A_574 = arith.constant dense<0x7F800000> : vector<1024xf32>
    %reduce_min3A_575 = vector.multi_reduction <minimumf>, %sub3A_573, %reduce_min3A_574 [0] : vector<512x1024xf32> to vector<1024xf32>
    %broadcast_in_dim3A_576 = vector.shape_cast %reduce_min3A_575 : vector<1024xf32> to vector<1x1024xf32>
    %iota3A_577 = tpu.iota {dimensions = array<i32: 0>} : vector<512x1024xi32>
    %eq3A_578 = vector.broadcast %broadcast_in_dim3A_576 : vector<1x1024xf32> to vector<512x1024xf32>
    %eq3A_579 = arith.cmpf oeq, %sub3A_573, %eq3A_578 : vector<512x1024xf32>
    %jit3A_580 = arith.constant 8192 : i32
    %broadcast_in_dim3A_581 = vector.broadcast %jit3A_580 : i32 to vector<512x1024xi32>
    %select_n3A_582 = arith.select %eq3A_579, %iota3A_577, %broadcast_in_dim3A_581 : vector<512x1024xi1>, vector<512x1024xi32>
    %reduce_min3A_583 = arith.constant dense<2147483647> : vector<1024xi32>
    %reduce_min3A_584 = vector.multi_reduction <minsi>, %select_n3A_582, %reduce_min3A_583 [0] : vector<512x1024xi32> to vector<1024xi32>
    %broadcast_in_dim3A_585 = vector.shape_cast %reduce_min3A_584 : vector<1024xi32> to vector<1x1024xi32>
    %add3A_586 = arith.constant 3584 : i32
    %add3A_587 = vector.broadcast %add3A_586 : i32 to vector<1x1024xi32>
    %add3A_588 = arith.addi %broadcast_in_dim3A_585, %add3A_587 : vector<1x1024xi32>
    %lt3A_589 = arith.cmpf olt, %broadcast_in_dim3A_576, %select_n3A_555 : vector<1x1024xf32>
    %select_n3A_590 = arith.select %lt3A_589, %add3A_588, %select_n3A_554 : vector<1x1024xi1>, vector<1x1024xi32>
    %select_n3A_591 = arith.select %lt3A_589, %broadcast_in_dim3A_576, %select_n3A_555 : vector<1x1024xi1>, vector<1x1024xf32>
    %get3A_592 = arith.constant 4096 : index
    %get3A_593 = arith.constant 0 : index
    %get3A_594 = vector.load %arg4[%get3A_592, %get3A_593] : memref<8192x16xf32, #tpu.memory_space<vmem>>, vector<512x16xf32>
    %mul3A_595 = arith.mulf %get3A_594, %get3A_594 : vector<512x16xf32>
    %reduce_sum3A_596 = arith.constant dense<0.000000e+00> : vector<512xf32>
    %reduce_sum3A_597 = vector.multi_reduction <add>, %mul3A_595, %reduce_sum3A_596 [1] : vector<512x16xf32> to vector<512xf32>
    %broadcast_in_dim3A_598 = vector.shape_cast %reduce_sum3A_597 : vector<512xf32> to vector<512x1xf32>
    %add3A_599 = vector.broadcast %broadcast_in_dim3A_307 : vector<1x1024xf32> to vector<512x1024xf32>
    %add3A_600 = vector.broadcast %broadcast_in_dim3A_598 : vector<512x1xf32> to vector<512x1024xf32>
    %add3A_601 = arith.addf %add3A_599, %add3A_600 : vector<512x1024xf32>
    %convert_element_type3A_602 = arith.truncf %get3A_594 : vector<512x16xf32> to vector<512x16xbf16>
    %convert_element_type3A_603 = arith.truncf %convert_element_type3A_304 : vector<16x1024xf32> to vector<16x1024xbf16>
    %dot_general3A_604 = arith.constant dense<0.000000e+00> : vector<512x1024xf32>
    %dot_general3A_605 = tpu.matmul %convert_element_type3A_602, %convert_element_type3A_603, %dot_general3A_604 {dimension_numbers = #tpu.dot_dimension_numbers<[1], [0], [0], [1], [0, 0, 1, 1], [], []>, transpose_lhs_hint = false} : vector<512x16xbf16>, vector<16x1024xbf16>, vector<512x1024xf32> -> vector<512x1024xf32>
    %mul3A_606 = arith.constant 2.000000e+00 : f32
    %mul3A_607 = vector.broadcast %mul3A_606 : f32 to vector<512x1024xf32>
    %mul3A_608 = arith.mulf %mul3A_607, %dot_general3A_605 : vector<512x1024xf32>
    %sub3A_609 = arith.subf %add3A_601, %mul3A_608 : vector<512x1024xf32>
    %reduce_min3A_610 = arith.constant dense<0x7F800000> : vector<1024xf32>
    %reduce_min3A_611 = vector.multi_reduction <minimumf>, %sub3A_609, %reduce_min3A_610 [0] : vector<512x1024xf32> to vector<1024xf32>
    %broadcast_in_dim3A_612 = vector.shape_cast %reduce_min3A_611 : vector<1024xf32> to vector<1x1024xf32>
    %iota3A_613 = tpu.iota {dimensions = array<i32: 0>} : vector<512x1024xi32>
    %eq3A_614 = vector.broadcast %broadcast_in_dim3A_612 : vector<1x1024xf32> to vector<512x1024xf32>
    %eq3A_615 = arith.cmpf oeq, %sub3A_609, %eq3A_614 : vector<512x1024xf32>
    %jit3A_616 = arith.constant 8192 : i32
    %broadcast_in_dim3A_617 = vector.broadcast %jit3A_616 : i32 to vector<512x1024xi32>
    %select_n3A_618 = arith.select %eq3A_615, %iota3A_613, %broadcast_in_dim3A_617 : vector<512x1024xi1>, vector<512x1024xi32>
    %reduce_min3A_619 = arith.constant dense<2147483647> : vector<1024xi32>
    %reduce_min3A_620 = vector.multi_reduction <minsi>, %select_n3A_618, %reduce_min3A_619 [0] : vector<512x1024xi32> to vector<1024xi32>
    %broadcast_in_dim3A_621 = vector.shape_cast %reduce_min3A_620 : vector<1024xi32> to vector<1x1024xi32>
    %add3A_622 = arith.constant 4096 : i32
    %add3A_623 = vector.broadcast %add3A_622 : i32 to vector<1x1024xi32>
    %add3A_624 = arith.addi %broadcast_in_dim3A_621, %add3A_623 : vector<1x1024xi32>
    %lt3A_625 = arith.cmpf olt, %broadcast_in_dim3A_612, %select_n3A_591 : vector<1x1024xf32>
    %select_n3A_626 = arith.select %lt3A_625, %add3A_624, %select_n3A_590 : vector<1x1024xi1>, vector<1x1024xi32>
    %select_n3A_627 = arith.select %lt3A_625, %broadcast_in_dim3A_612, %select_n3A_591 : vector<1x1024xi1>, vector<1x1024xf32>
    %get3A_628 = arith.constant 4608 : index
    %get3A_629 = arith.constant 0 : index
    %get3A_630 = vector.load %arg4[%get3A_628, %get3A_629] : memref<8192x16xf32, #tpu.memory_space<vmem>>, vector<512x16xf32>
    %mul3A_631 = arith.mulf %get3A_630, %get3A_630 : vector<512x16xf32>
    %reduce_sum3A_632 = arith.constant dense<0.000000e+00> : vector<512xf32>
    %reduce_sum3A_633 = vector.multi_reduction <add>, %mul3A_631, %reduce_sum3A_632 [1] : vector<512x16xf32> to vector<512xf32>
    %broadcast_in_dim3A_634 = vector.shape_cast %reduce_sum3A_633 : vector<512xf32> to vector<512x1xf32>
    %add3A_635 = vector.broadcast %broadcast_in_dim3A_307 : vector<1x1024xf32> to vector<512x1024xf32>
    %add3A_636 = vector.broadcast %broadcast_in_dim3A_634 : vector<512x1xf32> to vector<512x1024xf32>
    %add3A_637 = arith.addf %add3A_635, %add3A_636 : vector<512x1024xf32>
    %convert_element_type3A_638 = arith.truncf %get3A_630 : vector<512x16xf32> to vector<512x16xbf16>
    %convert_element_type3A_639 = arith.truncf %convert_element_type3A_304 : vector<16x1024xf32> to vector<16x1024xbf16>
    %dot_general3A_640 = arith.constant dense<0.000000e+00> : vector<512x1024xf32>
    %dot_general3A_641 = tpu.matmul %convert_element_type3A_638, %convert_element_type3A_639, %dot_general3A_640 {dimension_numbers = #tpu.dot_dimension_numbers<[1], [0], [0], [1], [0, 0, 1, 1], [], []>, transpose_lhs_hint = false} : vector<512x16xbf16>, vector<16x1024xbf16>, vector<512x1024xf32> -> vector<512x1024xf32>
    %mul3A_642 = arith.constant 2.000000e+00 : f32
    %mul3A_643 = vector.broadcast %mul3A_642 : f32 to vector<512x1024xf32>
    %mul3A_644 = arith.mulf %mul3A_643, %dot_general3A_641 : vector<512x1024xf32>
    %sub3A_645 = arith.subf %add3A_637, %mul3A_644 : vector<512x1024xf32>
    %reduce_min3A_646 = arith.constant dense<0x7F800000> : vector<1024xf32>
    %reduce_min3A_647 = vector.multi_reduction <minimumf>, %sub3A_645, %reduce_min3A_646 [0] : vector<512x1024xf32> to vector<1024xf32>
    %broadcast_in_dim3A_648 = vector.shape_cast %reduce_min3A_647 : vector<1024xf32> to vector<1x1024xf32>
    %iota3A_649 = tpu.iota {dimensions = array<i32: 0>} : vector<512x1024xi32>
    %eq3A_650 = vector.broadcast %broadcast_in_dim3A_648 : vector<1x1024xf32> to vector<512x1024xf32>
    %eq3A_651 = arith.cmpf oeq, %sub3A_645, %eq3A_650 : vector<512x1024xf32>
    %jit3A_652 = arith.constant 8192 : i32
    %broadcast_in_dim3A_653 = vector.broadcast %jit3A_652 : i32 to vector<512x1024xi32>
    %select_n3A_654 = arith.select %eq3A_651, %iota3A_649, %broadcast_in_dim3A_653 : vector<512x1024xi1>, vector<512x1024xi32>
    %reduce_min3A_655 = arith.constant dense<2147483647> : vector<1024xi32>
    %reduce_min3A_656 = vector.multi_reduction <minsi>, %select_n3A_654, %reduce_min3A_655 [0] : vector<512x1024xi32> to vector<1024xi32>
    %broadcast_in_dim3A_657 = vector.shape_cast %reduce_min3A_656 : vector<1024xi32> to vector<1x1024xi32>
    %add3A_658 = arith.constant 4608 : i32
    %add3A_659 = vector.broadcast %add3A_658 : i32 to vector<1x1024xi32>
    %add3A_660 = arith.addi %broadcast_in_dim3A_657, %add3A_659 : vector<1x1024xi32>
    %lt3A_661 = arith.cmpf olt, %broadcast_in_dim3A_648, %select_n3A_627 : vector<1x1024xf32>
    %select_n3A_662 = arith.select %lt3A_661, %add3A_660, %select_n3A_626 : vector<1x1024xi1>, vector<1x1024xi32>
    %select_n3A_663 = arith.select %lt3A_661, %broadcast_in_dim3A_648, %select_n3A_627 : vector<1x1024xi1>, vector<1x1024xf32>
    %get3A_664 = arith.constant 5120 : index
    %get3A_665 = arith.constant 0 : index
    %get3A_666 = vector.load %arg4[%get3A_664, %get3A_665] : memref<8192x16xf32, #tpu.memory_space<vmem>>, vector<512x16xf32>
    %mul3A_667 = arith.mulf %get3A_666, %get3A_666 : vector<512x16xf32>
    %reduce_sum3A_668 = arith.constant dense<0.000000e+00> : vector<512xf32>
    %reduce_sum3A_669 = vector.multi_reduction <add>, %mul3A_667, %reduce_sum3A_668 [1] : vector<512x16xf32> to vector<512xf32>
    %broadcast_in_dim3A_670 = vector.shape_cast %reduce_sum3A_669 : vector<512xf32> to vector<512x1xf32>
    %add3A_671 = vector.broadcast %broadcast_in_dim3A_307 : vector<1x1024xf32> to vector<512x1024xf32>
    %add3A_672 = vector.broadcast %broadcast_in_dim3A_670 : vector<512x1xf32> to vector<512x1024xf32>
    %add3A_673 = arith.addf %add3A_671, %add3A_672 : vector<512x1024xf32>
    %convert_element_type3A_674 = arith.truncf %get3A_666 : vector<512x16xf32> to vector<512x16xbf16>
    %convert_element_type3A_675 = arith.truncf %convert_element_type3A_304 : vector<16x1024xf32> to vector<16x1024xbf16>
    %dot_general3A_676 = arith.constant dense<0.000000e+00> : vector<512x1024xf32>
    %dot_general3A_677 = tpu.matmul %convert_element_type3A_674, %convert_element_type3A_675, %dot_general3A_676 {dimension_numbers = #tpu.dot_dimension_numbers<[1], [0], [0], [1], [0, 0, 1, 1], [], []>, transpose_lhs_hint = false} : vector<512x16xbf16>, vector<16x1024xbf16>, vector<512x1024xf32> -> vector<512x1024xf32>
    %mul3A_678 = arith.constant 2.000000e+00 : f32
    %mul3A_679 = vector.broadcast %mul3A_678 : f32 to vector<512x1024xf32>
    %mul3A_680 = arith.mulf %mul3A_679, %dot_general3A_677 : vector<512x1024xf32>
    %sub3A_681 = arith.subf %add3A_673, %mul3A_680 : vector<512x1024xf32>
    %reduce_min3A_682 = arith.constant dense<0x7F800000> : vector<1024xf32>
    %reduce_min3A_683 = vector.multi_reduction <minimumf>, %sub3A_681, %reduce_min3A_682 [0] : vector<512x1024xf32> to vector<1024xf32>
    %broadcast_in_dim3A_684 = vector.shape_cast %reduce_min3A_683 : vector<1024xf32> to vector<1x1024xf32>
    %iota3A_685 = tpu.iota {dimensions = array<i32: 0>} : vector<512x1024xi32>
    %eq3A_686 = vector.broadcast %broadcast_in_dim3A_684 : vector<1x1024xf32> to vector<512x1024xf32>
    %eq3A_687 = arith.cmpf oeq, %sub3A_681, %eq3A_686 : vector<512x1024xf32>
    %jit3A_688 = arith.constant 8192 : i32
    %broadcast_in_dim3A_689 = vector.broadcast %jit3A_688 : i32 to vector<512x1024xi32>
    %select_n3A_690 = arith.select %eq3A_687, %iota3A_685, %broadcast_in_dim3A_689 : vector<512x1024xi1>, vector<512x1024xi32>
    %reduce_min3A_691 = arith.constant dense<2147483647> : vector<1024xi32>
    %reduce_min3A_692 = vector.multi_reduction <minsi>, %select_n3A_690, %reduce_min3A_691 [0] : vector<512x1024xi32> to vector<1024xi32>
    %broadcast_in_dim3A_693 = vector.shape_cast %reduce_min3A_692 : vector<1024xi32> to vector<1x1024xi32>
    %add3A_694 = arith.constant 5120 : i32
    %add3A_695 = vector.broadcast %add3A_694 : i32 to vector<1x1024xi32>
    %add3A_696 = arith.addi %broadcast_in_dim3A_693, %add3A_695 : vector<1x1024xi32>
    %lt3A_697 = arith.cmpf olt, %broadcast_in_dim3A_684, %select_n3A_663 : vector<1x1024xf32>
    %select_n3A_698 = arith.select %lt3A_697, %add3A_696, %select_n3A_662 : vector<1x1024xi1>, vector<1x1024xi32>
    %select_n3A_699 = arith.select %lt3A_697, %broadcast_in_dim3A_684, %select_n3A_663 : vector<1x1024xi1>, vector<1x1024xf32>
    %get3A_700 = arith.constant 5632 : index
    %get3A_701 = arith.constant 0 : index
    %get3A_702 = vector.load %arg4[%get3A_700, %get3A_701] : memref<8192x16xf32, #tpu.memory_space<vmem>>, vector<512x16xf32>
    %mul3A_703 = arith.mulf %get3A_702, %get3A_702 : vector<512x16xf32>
    %reduce_sum3A_704 = arith.constant dense<0.000000e+00> : vector<512xf32>
    %reduce_sum3A_705 = vector.multi_reduction <add>, %mul3A_703, %reduce_sum3A_704 [1] : vector<512x16xf32> to vector<512xf32>
    %broadcast_in_dim3A_706 = vector.shape_cast %reduce_sum3A_705 : vector<512xf32> to vector<512x1xf32>
    %add3A_707 = vector.broadcast %broadcast_in_dim3A_307 : vector<1x1024xf32> to vector<512x1024xf32>
    %add3A_708 = vector.broadcast %broadcast_in_dim3A_706 : vector<512x1xf32> to vector<512x1024xf32>
    %add3A_709 = arith.addf %add3A_707, %add3A_708 : vector<512x1024xf32>
    %convert_element_type3A_710 = arith.truncf %get3A_702 : vector<512x16xf32> to vector<512x16xbf16>
    %convert_element_type3A_711 = arith.truncf %convert_element_type3A_304 : vector<16x1024xf32> to vector<16x1024xbf16>
    %dot_general3A_712 = arith.constant dense<0.000000e+00> : vector<512x1024xf32>
    %dot_general3A_713 = tpu.matmul %convert_element_type3A_710, %convert_element_type3A_711, %dot_general3A_712 {dimension_numbers = #tpu.dot_dimension_numbers<[1], [0], [0], [1], [0, 0, 1, 1], [], []>, transpose_lhs_hint = false} : vector<512x16xbf16>, vector<16x1024xbf16>, vector<512x1024xf32> -> vector<512x1024xf32>
    %mul3A_714 = arith.constant 2.000000e+00 : f32
    %mul3A_715 = vector.broadcast %mul3A_714 : f32 to vector<512x1024xf32>
    %mul3A_716 = arith.mulf %mul3A_715, %dot_general3A_713 : vector<512x1024xf32>
    %sub3A_717 = arith.subf %add3A_709, %mul3A_716 : vector<512x1024xf32>
    %reduce_min3A_718 = arith.constant dense<0x7F800000> : vector<1024xf32>
    %reduce_min3A_719 = vector.multi_reduction <minimumf>, %sub3A_717, %reduce_min3A_718 [0] : vector<512x1024xf32> to vector<1024xf32>
    %broadcast_in_dim3A_720 = vector.shape_cast %reduce_min3A_719 : vector<1024xf32> to vector<1x1024xf32>
    %iota3A_721 = tpu.iota {dimensions = array<i32: 0>} : vector<512x1024xi32>
    %eq3A_722 = vector.broadcast %broadcast_in_dim3A_720 : vector<1x1024xf32> to vector<512x1024xf32>
    %eq3A_723 = arith.cmpf oeq, %sub3A_717, %eq3A_722 : vector<512x1024xf32>
    %jit3A_724 = arith.constant 8192 : i32
    %broadcast_in_dim3A_725 = vector.broadcast %jit3A_724 : i32 to vector<512x1024xi32>
    %select_n3A_726 = arith.select %eq3A_723, %iota3A_721, %broadcast_in_dim3A_725 : vector<512x1024xi1>, vector<512x1024xi32>
    %reduce_min3A_727 = arith.constant dense<2147483647> : vector<1024xi32>
    %reduce_min3A_728 = vector.multi_reduction <minsi>, %select_n3A_726, %reduce_min3A_727 [0] : vector<512x1024xi32> to vector<1024xi32>
    %broadcast_in_dim3A_729 = vector.shape_cast %reduce_min3A_728 : vector<1024xi32> to vector<1x1024xi32>
    %add3A_730 = arith.constant 5632 : i32
    %add3A_731 = vector.broadcast %add3A_730 : i32 to vector<1x1024xi32>
    %add3A_732 = arith.addi %broadcast_in_dim3A_729, %add3A_731 : vector<1x1024xi32>
    %lt3A_733 = arith.cmpf olt, %broadcast_in_dim3A_720, %select_n3A_699 : vector<1x1024xf32>
    %select_n3A_734 = arith.select %lt3A_733, %add3A_732, %select_n3A_698 : vector<1x1024xi1>, vector<1x1024xi32>
    %select_n3A_735 = arith.select %lt3A_733, %broadcast_in_dim3A_720, %select_n3A_699 : vector<1x1024xi1>, vector<1x1024xf32>
    %get3A_736 = arith.constant 6144 : index
    %get3A_737 = arith.constant 0 : index
    %get3A_738 = vector.load %arg4[%get3A_736, %get3A_737] : memref<8192x16xf32, #tpu.memory_space<vmem>>, vector<512x16xf32>
    %mul3A_739 = arith.mulf %get3A_738, %get3A_738 : vector<512x16xf32>
    %reduce_sum3A_740 = arith.constant dense<0.000000e+00> : vector<512xf32>
    %reduce_sum3A_741 = vector.multi_reduction <add>, %mul3A_739, %reduce_sum3A_740 [1] : vector<512x16xf32> to vector<512xf32>
    %broadcast_in_dim3A_742 = vector.shape_cast %reduce_sum3A_741 : vector<512xf32> to vector<512x1xf32>
    %add3A_743 = vector.broadcast %broadcast_in_dim3A_307 : vector<1x1024xf32> to vector<512x1024xf32>
    %add3A_744 = vector.broadcast %broadcast_in_dim3A_742 : vector<512x1xf32> to vector<512x1024xf32>
    %add3A_745 = arith.addf %add3A_743, %add3A_744 : vector<512x1024xf32>
    %convert_element_type3A_746 = arith.truncf %get3A_738 : vector<512x16xf32> to vector<512x16xbf16>
    %convert_element_type3A_747 = arith.truncf %convert_element_type3A_304 : vector<16x1024xf32> to vector<16x1024xbf16>
    %dot_general3A_748 = arith.constant dense<0.000000e+00> : vector<512x1024xf32>
    %dot_general3A_749 = tpu.matmul %convert_element_type3A_746, %convert_element_type3A_747, %dot_general3A_748 {dimension_numbers = #tpu.dot_dimension_numbers<[1], [0], [0], [1], [0, 0, 1, 1], [], []>, transpose_lhs_hint = false} : vector<512x16xbf16>, vector<16x1024xbf16>, vector<512x1024xf32> -> vector<512x1024xf32>
    %mul3A_750 = arith.constant 2.000000e+00 : f32
    %mul3A_751 = vector.broadcast %mul3A_750 : f32 to vector<512x1024xf32>
    %mul3A_752 = arith.mulf %mul3A_751, %dot_general3A_749 : vector<512x1024xf32>
    %sub3A_753 = arith.subf %add3A_745, %mul3A_752 : vector<512x1024xf32>
    %reduce_min3A_754 = arith.constant dense<0x7F800000> : vector<1024xf32>
    %reduce_min3A_755 = vector.multi_reduction <minimumf>, %sub3A_753, %reduce_min3A_754 [0] : vector<512x1024xf32> to vector<1024xf32>
    %broadcast_in_dim3A_756 = vector.shape_cast %reduce_min3A_755 : vector<1024xf32> to vector<1x1024xf32>
    %iota3A_757 = tpu.iota {dimensions = array<i32: 0>} : vector<512x1024xi32>
    %eq3A_758 = vector.broadcast %broadcast_in_dim3A_756 : vector<1x1024xf32> to vector<512x1024xf32>
    %eq3A_759 = arith.cmpf oeq, %sub3A_753, %eq3A_758 : vector<512x1024xf32>
    %jit3A_760 = arith.constant 8192 : i32
    %broadcast_in_dim3A_761 = vector.broadcast %jit3A_760 : i32 to vector<512x1024xi32>
    %select_n3A_762 = arith.select %eq3A_759, %iota3A_757, %broadcast_in_dim3A_761 : vector<512x1024xi1>, vector<512x1024xi32>
    %reduce_min3A_763 = arith.constant dense<2147483647> : vector<1024xi32>
    %reduce_min3A_764 = vector.multi_reduction <minsi>, %select_n3A_762, %reduce_min3A_763 [0] : vector<512x1024xi32> to vector<1024xi32>
    %broadcast_in_dim3A_765 = vector.shape_cast %reduce_min3A_764 : vector<1024xi32> to vector<1x1024xi32>
    %add3A_766 = arith.constant 6144 : i32
    %add3A_767 = vector.broadcast %add3A_766 : i32 to vector<1x1024xi32>
    %add3A_768 = arith.addi %broadcast_in_dim3A_765, %add3A_767 : vector<1x1024xi32>
    %lt3A_769 = arith.cmpf olt, %broadcast_in_dim3A_756, %select_n3A_735 : vector<1x1024xf32>
    %select_n3A_770 = arith.select %lt3A_769, %add3A_768, %select_n3A_734 : vector<1x1024xi1>, vector<1x1024xi32>
    %select_n3A_771 = arith.select %lt3A_769, %broadcast_in_dim3A_756, %select_n3A_735 : vector<1x1024xi1>, vector<1x1024xf32>
    %get3A_772 = arith.constant 6656 : index
    %get3A_773 = arith.constant 0 : index
    %get3A_774 = vector.load %arg4[%get3A_772, %get3A_773] : memref<8192x16xf32, #tpu.memory_space<vmem>>, vector<512x16xf32>
    %mul3A_775 = arith.mulf %get3A_774, %get3A_774 : vector<512x16xf32>
    %reduce_sum3A_776 = arith.constant dense<0.000000e+00> : vector<512xf32>
    %reduce_sum3A_777 = vector.multi_reduction <add>, %mul3A_775, %reduce_sum3A_776 [1] : vector<512x16xf32> to vector<512xf32>
    %broadcast_in_dim3A_778 = vector.shape_cast %reduce_sum3A_777 : vector<512xf32> to vector<512x1xf32>
    %add3A_779 = vector.broadcast %broadcast_in_dim3A_307 : vector<1x1024xf32> to vector<512x1024xf32>
    %add3A_780 = vector.broadcast %broadcast_in_dim3A_778 : vector<512x1xf32> to vector<512x1024xf32>
    %add3A_781 = arith.addf %add3A_779, %add3A_780 : vector<512x1024xf32>
    %convert_element_type3A_782 = arith.truncf %get3A_774 : vector<512x16xf32> to vector<512x16xbf16>
    %convert_element_type3A_783 = arith.truncf %convert_element_type3A_304 : vector<16x1024xf32> to vector<16x1024xbf16>
    %dot_general3A_784 = arith.constant dense<0.000000e+00> : vector<512x1024xf32>
    %dot_general3A_785 = tpu.matmul %convert_element_type3A_782, %convert_element_type3A_783, %dot_general3A_784 {dimension_numbers = #tpu.dot_dimension_numbers<[1], [0], [0], [1], [0, 0, 1, 1], [], []>, transpose_lhs_hint = false} : vector<512x16xbf16>, vector<16x1024xbf16>, vector<512x1024xf32> -> vector<512x1024xf32>
    %mul3A_786 = arith.constant 2.000000e+00 : f32
    %mul3A_787 = vector.broadcast %mul3A_786 : f32 to vector<512x1024xf32>
    %mul3A_788 = arith.mulf %mul3A_787, %dot_general3A_785 : vector<512x1024xf32>
    %sub3A_789 = arith.subf %add3A_781, %mul3A_788 : vector<512x1024xf32>
    %reduce_min3A_790 = arith.constant dense<0x7F800000> : vector<1024xf32>
    %reduce_min3A_791 = vector.multi_reduction <minimumf>, %sub3A_789, %reduce_min3A_790 [0] : vector<512x1024xf32> to vector<1024xf32>
    %broadcast_in_dim3A_792 = vector.shape_cast %reduce_min3A_791 : vector<1024xf32> to vector<1x1024xf32>
    %iota3A_793 = tpu.iota {dimensions = array<i32: 0>} : vector<512x1024xi32>
    %eq3A_794 = vector.broadcast %broadcast_in_dim3A_792 : vector<1x1024xf32> to vector<512x1024xf32>
    %eq3A_795 = arith.cmpf oeq, %sub3A_789, %eq3A_794 : vector<512x1024xf32>
    %jit3A_796 = arith.constant 8192 : i32
    %broadcast_in_dim3A_797 = vector.broadcast %jit3A_796 : i32 to vector<512x1024xi32>
    %select_n3A_798 = arith.select %eq3A_795, %iota3A_793, %broadcast_in_dim3A_797 : vector<512x1024xi1>, vector<512x1024xi32>
    %reduce_min3A_799 = arith.constant dense<2147483647> : vector<1024xi32>
    %reduce_min3A_800 = vector.multi_reduction <minsi>, %select_n3A_798, %reduce_min3A_799 [0] : vector<512x1024xi32> to vector<1024xi32>
    %broadcast_in_dim3A_801 = vector.shape_cast %reduce_min3A_800 : vector<1024xi32> to vector<1x1024xi32>
    %add3A_802 = arith.constant 6656 : i32
    %add3A_803 = vector.broadcast %add3A_802 : i32 to vector<1x1024xi32>
    %add3A_804 = arith.addi %broadcast_in_dim3A_801, %add3A_803 : vector<1x1024xi32>
    %lt3A_805 = arith.cmpf olt, %broadcast_in_dim3A_792, %select_n3A_771 : vector<1x1024xf32>
    %select_n3A_806 = arith.select %lt3A_805, %add3A_804, %select_n3A_770 : vector<1x1024xi1>, vector<1x1024xi32>
    %select_n3A_807 = arith.select %lt3A_805, %broadcast_in_dim3A_792, %select_n3A_771 : vector<1x1024xi1>, vector<1x1024xf32>
    %get3A_808 = arith.constant 7168 : index
    %get3A_809 = arith.constant 0 : index
    %get3A_810 = vector.load %arg4[%get3A_808, %get3A_809] : memref<8192x16xf32, #tpu.memory_space<vmem>>, vector<512x16xf32>
    %mul3A_811 = arith.mulf %get3A_810, %get3A_810 : vector<512x16xf32>
    %reduce_sum3A_812 = arith.constant dense<0.000000e+00> : vector<512xf32>
    %reduce_sum3A_813 = vector.multi_reduction <add>, %mul3A_811, %reduce_sum3A_812 [1] : vector<512x16xf32> to vector<512xf32>
    %broadcast_in_dim3A_814 = vector.shape_cast %reduce_sum3A_813 : vector<512xf32> to vector<512x1xf32>
    %add3A_815 = vector.broadcast %broadcast_in_dim3A_307 : vector<1x1024xf32> to vector<512x1024xf32>
    %add3A_816 = vector.broadcast %broadcast_in_dim3A_814 : vector<512x1xf32> to vector<512x1024xf32>
    %add3A_817 = arith.addf %add3A_815, %add3A_816 : vector<512x1024xf32>
    %convert_element_type3A_818 = arith.truncf %get3A_810 : vector<512x16xf32> to vector<512x16xbf16>
    %convert_element_type3A_819 = arith.truncf %convert_element_type3A_304 : vector<16x1024xf32> to vector<16x1024xbf16>
    %dot_general3A_820 = arith.constant dense<0.000000e+00> : vector<512x1024xf32>
    %dot_general3A_821 = tpu.matmul %convert_element_type3A_818, %convert_element_type3A_819, %dot_general3A_820 {dimension_numbers = #tpu.dot_dimension_numbers<[1], [0], [0], [1], [0, 0, 1, 1], [], []>, transpose_lhs_hint = false} : vector<512x16xbf16>, vector<16x1024xbf16>, vector<512x1024xf32> -> vector<512x1024xf32>
    %mul3A_822 = arith.constant 2.000000e+00 : f32
    %mul3A_823 = vector.broadcast %mul3A_822 : f32 to vector<512x1024xf32>
    %mul3A_824 = arith.mulf %mul3A_823, %dot_general3A_821 : vector<512x1024xf32>
    %sub3A_825 = arith.subf %add3A_817, %mul3A_824 : vector<512x1024xf32>
    %reduce_min3A_826 = arith.constant dense<0x7F800000> : vector<1024xf32>
    %reduce_min3A_827 = vector.multi_reduction <minimumf>, %sub3A_825, %reduce_min3A_826 [0] : vector<512x1024xf32> to vector<1024xf32>
    %broadcast_in_dim3A_828 = vector.shape_cast %reduce_min3A_827 : vector<1024xf32> to vector<1x1024xf32>
    %iota3A_829 = tpu.iota {dimensions = array<i32: 0>} : vector<512x1024xi32>
    %eq3A_830 = vector.broadcast %broadcast_in_dim3A_828 : vector<1x1024xf32> to vector<512x1024xf32>
    %eq3A_831 = arith.cmpf oeq, %sub3A_825, %eq3A_830 : vector<512x1024xf32>
    %jit3A_832 = arith.constant 8192 : i32
    %broadcast_in_dim3A_833 = vector.broadcast %jit3A_832 : i32 to vector<512x1024xi32>
    %select_n3A_834 = arith.select %eq3A_831, %iota3A_829, %broadcast_in_dim3A_833 : vector<512x1024xi1>, vector<512x1024xi32>
    %reduce_min3A_835 = arith.constant dense<2147483647> : vector<1024xi32>
    %reduce_min3A_836 = vector.multi_reduction <minsi>, %select_n3A_834, %reduce_min3A_835 [0] : vector<512x1024xi32> to vector<1024xi32>
    %broadcast_in_dim3A_837 = vector.shape_cast %reduce_min3A_836 : vector<1024xi32> to vector<1x1024xi32>
    %add3A_838 = arith.constant 7168 : i32
    %add3A_839 = vector.broadcast %add3A_838 : i32 to vector<1x1024xi32>
    %add3A_840 = arith.addi %broadcast_in_dim3A_837, %add3A_839 : vector<1x1024xi32>
    %lt3A_841 = arith.cmpf olt, %broadcast_in_dim3A_828, %select_n3A_807 : vector<1x1024xf32>
    %select_n3A_842 = arith.select %lt3A_841, %add3A_840, %select_n3A_806 : vector<1x1024xi1>, vector<1x1024xi32>
    %select_n3A_843 = arith.select %lt3A_841, %broadcast_in_dim3A_828, %select_n3A_807 : vector<1x1024xi1>, vector<1x1024xf32>
    %get3A_844 = arith.constant 7680 : index
    %get3A_845 = arith.constant 0 : index
    %get3A_846 = vector.load %arg4[%get3A_844, %get3A_845] : memref<8192x16xf32, #tpu.memory_space<vmem>>, vector<512x16xf32>
    %mul3A_847 = arith.mulf %get3A_846, %get3A_846 : vector<512x16xf32>
    %reduce_sum3A_848 = arith.constant dense<0.000000e+00> : vector<512xf32>
    %reduce_sum3A_849 = vector.multi_reduction <add>, %mul3A_847, %reduce_sum3A_848 [1] : vector<512x16xf32> to vector<512xf32>
    %broadcast_in_dim3A_850 = vector.shape_cast %reduce_sum3A_849 : vector<512xf32> to vector<512x1xf32>
    %add3A_851 = vector.broadcast %broadcast_in_dim3A_307 : vector<1x1024xf32> to vector<512x1024xf32>
    %add3A_852 = vector.broadcast %broadcast_in_dim3A_850 : vector<512x1xf32> to vector<512x1024xf32>
    %add3A_853 = arith.addf %add3A_851, %add3A_852 : vector<512x1024xf32>
    %convert_element_type3A_854 = arith.truncf %get3A_846 : vector<512x16xf32> to vector<512x16xbf16>
    %convert_element_type3A_855 = arith.truncf %convert_element_type3A_304 : vector<16x1024xf32> to vector<16x1024xbf16>
    %dot_general3A_856 = arith.constant dense<0.000000e+00> : vector<512x1024xf32>
    %dot_general3A_857 = tpu.matmul %convert_element_type3A_854, %convert_element_type3A_855, %dot_general3A_856 {dimension_numbers = #tpu.dot_dimension_numbers<[1], [0], [0], [1], [0, 0, 1, 1], [], []>, transpose_lhs_hint = false} : vector<512x16xbf16>, vector<16x1024xbf16>, vector<512x1024xf32> -> vector<512x1024xf32>
    %mul3A_858 = arith.constant 2.000000e+00 : f32
    %mul3A_859 = vector.broadcast %mul3A_858 : f32 to vector<512x1024xf32>
    %mul3A_860 = arith.mulf %mul3A_859, %dot_general3A_857 : vector<512x1024xf32>
    %sub3A_861 = arith.subf %add3A_853, %mul3A_860 : vector<512x1024xf32>
    %reduce_min3A_862 = arith.constant dense<0x7F800000> : vector<1024xf32>
    %reduce_min3A_863 = vector.multi_reduction <minimumf>, %sub3A_861, %reduce_min3A_862 [0] : vector<512x1024xf32> to vector<1024xf32>
    %broadcast_in_dim3A_864 = vector.shape_cast %reduce_min3A_863 : vector<1024xf32> to vector<1x1024xf32>
    %iota3A_865 = tpu.iota {dimensions = array<i32: 0>} : vector<512x1024xi32>
    %eq3A_866 = vector.broadcast %broadcast_in_dim3A_864 : vector<1x1024xf32> to vector<512x1024xf32>
    %eq3A_867 = arith.cmpf oeq, %sub3A_861, %eq3A_866 : vector<512x1024xf32>
    %jit3A_868 = arith.constant 8192 : i32
    %broadcast_in_dim3A_869 = vector.broadcast %jit3A_868 : i32 to vector<512x1024xi32>
    %select_n3A_870 = arith.select %eq3A_867, %iota3A_865, %broadcast_in_dim3A_869 : vector<512x1024xi1>, vector<512x1024xi32>
    %reduce_min3A_871 = arith.constant dense<2147483647> : vector<1024xi32>
    %reduce_min3A_872 = vector.multi_reduction <minsi>, %select_n3A_870, %reduce_min3A_871 [0] : vector<512x1024xi32> to vector<1024xi32>
    %broadcast_in_dim3A_873 = vector.shape_cast %reduce_min3A_872 : vector<1024xi32> to vector<1x1024xi32>
    %add3A_874 = arith.constant 7680 : i32
    %add3A_875 = vector.broadcast %add3A_874 : i32 to vector<1x1024xi32>
    %add3A_876 = arith.addi %broadcast_in_dim3A_873, %add3A_875 : vector<1x1024xi32>
    %lt3A_877 = arith.cmpf olt, %broadcast_in_dim3A_864, %select_n3A_843 : vector<1x1024xf32>
    %select_n3A_878 = arith.select %lt3A_877, %add3A_876, %select_n3A_842 : vector<1x1024xi1>, vector<1x1024xi32>
    %squeeze3A = vector.shape_cast %select_n3A_878 : vector<1x1024xi32> to vector<1024xi32>
    %swap3A_879 = arith.constant 0 : index
    %swap3A_880 = arith.constant 0 : index
    %swap3A_881 = arith.constant 0 : index
    %swap3A_882 = vector.load %arg5[%swap3A_879, %swap3A_880, %swap3A_881] : memref<1x1x1024xi32, #tpu.memory_space<vmem>>, vector<1x1x1024xi32>
    %swap3A_883 = vector.shape_cast %swap3A_882 : vector<1x1x1024xi32> to vector<1024xi32>
    %swap3A_884 = vector.shape_cast %squeeze3A : vector<1024xi32> to vector<1x1x1024xi32>
    tpu.vector_store %arg5[%swap3A_879, %swap3A_880, %swap3A_881], %swap3A_884 {strides = array<i32>} : memref<1x1x1024xi32, #tpu.memory_space<vmem>>, vector<1x1x1024xi32>,
    return
  }
  func.func @transform_0(%arg0: i32) -> (i32, i32, i32, i32, i32) {
    %c0_i32 = arith.constant 0 : i32
    %c0_i32_0 = arith.constant 0 : i32
    %c0_i32_1 = arith.constant 0 : i32
    %c0_i32_2 = arith.constant 0 : i32
    %c0_i32_3 = arith.constant 0 : i32
    return %c0_i32, %arg0, %c0_i32_0, %c0_i32_1, %c0_i32_2 : i32, i32, i32, i32, i32
  }
  func.func @transform_1(%arg0: i32) -> (i32, i32) {
    %c0_i32 = arith.constant 0 : i32
    %c0_i32_0 = arith.constant 0 : i32
    %c0_i32_1 = arith.constant 0 : i32
    return %c0_i32, %c0_i32_0 : i32, i32
  }
  func.func @transform_2(%arg0: i32) -> (i32, i32) {
    %c0_i32 = arith.constant 0 : i32
    %c0_i32_0 = arith.constant 0 : i32
    %c0_i32_1 = arith.constant 0 : i32
    return %c0_i32, %c0_i32_0 : i32, i32
  }
  func.func @transform_3(%arg0: i32) -> (i32, i32) {
    %c0_i32 = arith.constant 0 : i32
    %c0_i32_0 = arith.constant 0 : i32
    %c0_i32_1 = arith.constant 0 : i32
    return %c0_i32, %c0_i32_0 : i32, i32
  }
  func.func @transform_4(%arg0: i32) -> (i32, i32, i32) {
    %c0_i32 = arith.constant 0 : i32
    %c0_i32_0 = arith.constant 0 : i32
    %c0_i32_1 = arith.constant 0 : i32
    return %arg0, %c0_i32, %c0_i32_0 : i32, i32, i32
  }
  func.func @transform_5(%arg0: i32) -> (i32, i32) {
    %c0_i32 = arith.constant 0 : i32
    %c0_i32_0 = arith.constant 0 : i32
    return %c0_i32, %arg0 : i32, i32
  }
}

</mosaic_0001>

<sc_bundles>
// kernel: kernel.6.cloned.1.call-start
scs
__scs_entry_jumppad:
0x0: {  	(pc) =	sbr.rel $0x88, $3  }
0x1: {  	(tag) =	ssettag $0x0;
	lr =	simm.s32 $0x1  }
0x2: {  	[smem:$0x3F9A] =	sst lr;
	_ =	strace $0xD0000000  }
0x3: {  	_ = 	snop  }
0x4: {  	_ = 	snop  }
0x5: {  	_ = 	snop  }
0x6: {  	_ = 	snop  }
0x7: {  	_ = 	snop  }
__scs_overlays_trampoline_lowered:
0x8: {  	[smem:$0x3FA9] =	sst s0  }
0x9: {  	[smem:$0x3FAA] =	sst s1  }
0xa: {  	[smem:$0x3FAB] =	sst s2  }
0xb: {  	[smem:$0x3FAC] =	sst s3  }
0xc: {  	[smem:$0x3FAD] =	sst s4  }
0xd: {  	[smem:$0x3FAE] =	sst s5  }
0xe: {  	[smem:$0x3FAF] =	sst s6  }
0xf: {  	[smem:$0x3FB0] =	sst s7  }
0x10: {  	[smem:$0x3FB1] =	sst s8  }
0x11: {  	[smem:$0x3FB2] =	sst s9;
	s0 =	simm.s32 @!p0 $0x0  }
0x12: {  	s1 =	sld [smem:$0x3F98];
	s0 =	simm.s32 @p0 $0x1  }
0x13: {  	[smem:$0x3FB3] =	sst s0;
	s0 =	simm.s32 @!p1 $0x0  }
0x14: {  	s2 =	sld [smem:$0x3F97];
	s0 =	simm.s32 @p1 $0x1  }
0x15: {  	[smem:$0x3FB4] =	sst s0;
	s0 =	simm.s32 @!p2 $0x0  }
0x16: {  	s3 =	sld [smem:$0x3FDB];
	s0 =	simm.s32 @p2 $0x1  }
0x17: {  	s4 =	simm.s32 $0x1BF5;
	[smem:$0x3FB6] =	sst s0  }
0x18: {  	s0 =	sld [smem:$0x3F99];
	_ =	swait.ge [sflag:s4], $0x0  }
0x19: {  	s7 =	sld [smem:$0x3F9A]  }
0x1a: {  	s8 =	sadd.s32 $0xFFFFE003, lr  }
0x1b: {  	s9 =	sadd.s32 $0xFFFFFEF7, lr;
	s5 =	simm.s32 $0xFFFFFFFF;
	p2 =	slt.u32 s8, $0xFFFFF086  }
0x1c: {  	p1 =	slt.u32 s9, $0xF7A;
	s5 =	simm.s32 @!p2 $0x0  }
0x1d: {  	s5 =	simm.s32 @p1 $0x1;
	p0 =	seq.s32 s7, s2  }
0x1e: {  	s7 =	smul.u32 @!p0 $0xF7A, s2;
	p2 =	seq.s32 @!p0 s5, $0x0  }
0x1f: {  	s9 =	smul.u32 $0xF7A, s1;
	s8 =	simm.s32 @!p0 $0x1BF5;
	p2 =	por !p2, p0  }
0x20: {  	[sflag:s8] =	ssyncset.s32 @!p0 $0xFFFFF086;
	s6 =	sadd.s32 @!p0 s3, s7;
	s7 =	simm.s32 @!p0 $0x108  }
0x21: {  	s3 =	sadd.s32 s3, s9;
	s6 =	sadd.s32 @!p0 $0x88, s6;
	s7 =	simm.s32 @p2 $0x1082  }
0x22: {  	[simem:s7], [sflag:s8] =	dma.local @!p0 [hbm:s6], $0xF7A  }
0x23: {  	s9 =	sor.u32 $0xD0000000, s2;
	s6 =	simm.s32 $0x108;
	_ =	swait.ge @!p0 [sflag:s8], $0x0  }
0x24: {  	s3 =	sadd.s32 $0x88, s3;
	s6 =	simm.s32 @!p1 $0x1082;
	[sflag:s4] =	ssyncset.s32 $0xFFFFF086  }
0x25: {  	[simem:s6], [sflag:s4] =	dma.local [hbm:s3], $0xF7A  }
0x26: {  	[smem:$0x3F9A] =	sst s1;
	(tag) =	ssettag s2;
	_ =	strace s9  }
0x27: {  	s1 =	sld [smem:$0x3FAA]  }
0x28: {  	s2 =	sld [smem:$0x3FAB]  }
0x29: {  	s4 =	sld [smem:$0x3FAD]  }
0x2a: {  	p0 =	seq.s32 s5, $0x0;
	s5 =	sld [smem:$0x3FAE]  }
0x2b: {  	s6 =	sld [smem:$0x3FAF]  }
0x2c: {  	s7 =	sld [smem:$0x3FB0]  }
0x2d: {  	s3 =	simm.s32 $0x108;
	s8 =	sld [smem:$0x3FB1]  }
0x2e: {  	s3 =	simm.s32 @!p0 $0x1082;
	s9 =	sld [smem:$0x3FB2]  }
0x2f: {  	lr =	sadd.s32 s0, s3;
	s0 =	sld [smem:$0x3FA9]  }
0x30: {  	s3 =	sld [smem:$0x3FAC]  }
0x31: {  	[smem:$0x3FB5] =	sst s10  }
0x32: {  	s10 =	sld [smem:$0x3FB3];
	_ =	sdelay $0x3  }
0x33: {  	p0 =	seq.s32 s10, $0x1;
	s10 =	sld [smem:$0x3FB5];
	_ =	sdelay $0x3  }
0x34: {  	[smem:$0x3FB5] =	sst s10  }
0x35: {  	s10 =	sld [smem:$0x3FB4];
	_ =	sdelay $0x3  }
0x36: {  	p1 =	seq.s32 s10, $0x1;
	s10 =	sld [smem:$0x3FB5];
	_ =	sdelay $0x3  }
0x37: {  	[smem:$0x3FB5] =	sst s10  }
0x38: {  	s10 =	sld [smem:$0x3FB6]  }
0x39: {  	_ = 	snop;
	(pc) =	sbr.ind lr, $3  }
0x3a: {  	_ = 	snop  }
0x3b: {  	_ = 	snop  }
0x3c: {  	p2 =	seq.s32 s10, $0x1;
	s10 =	sld [smem:$0x3FB5]  }
0x3d: {  	_ =	shalt  }
0x3e: {  	_ =	shalt  }
0x3f: {  	_ =	shalt  }
0x40: {  	_ =	shalt  }
0x41: {  	_ =	shalt  }
0x42: {  	_ =	shalt  }
0x43: {  	_ =	shalt  }
0x44: {  	_ =	shalt  }
0x45: {  	_ =	shalt  }
0x46: {  	_ =	shalt  }
0x47: {  	_ =	shalt  }
0x48: {  	_ =	shalt  }
0x49: {  	_ =	shalt  }
0x4a: {  	_ =	shalt  }
0x4b: {  	_ =	shalt  }
0x4c: {  	_ =	shalt  }
0x4d: {  	_ =	shalt  }
0x4e: {  	_ =	shalt  }
0x4f: {  	_ =	shalt  }
0x50: {  	_ =	shalt  }
0x51: {  	_ =	shalt  }
0x52: {  	_ =	shalt  }
0x53: {  	_ =	shalt  }
0x54: {  	_ =	shalt  }
0x55: {  	_ =	shalt  }
0x56: {  	_ =	shalt  }
0x57: {  	_ =	shalt  }
0x58: {  	_ =	shalt  }
0x59: {  	_ =	shalt  }
0x5a: {  	_ =	shalt  }
0x5b: {  	_ =	shalt  }
0x5c: {  	_ =	shalt  }
0x5d: {  	_ =	shalt  }
0x5e: {  	_ =	shalt  }
0x5f: {  	_ =	shalt  }
0x60: {  	_ =	shalt  }
0x61: {  	_ =	shalt  }
0x62: {  	_ =	shalt  }
0x63: {  	_ =	shalt  }
0x64: {  	_ =	shalt  }
0x65: {  	_ =	shalt  }
0x66: {  	_ =	shalt  }
0x67: {  	_ =	shalt  }
0x68: {  	_ =	shalt  }
0x69: {  	_ =	shalt  }
0x6a: {  	_ =	shalt  }
0x6b: {  	_ =	shalt  }
0x6c: {  	_ =	shalt  }
0x6d: {  	_ =	shalt  }
0x6e: {  	_ =	shalt  }
0x6f: {  	_ =	shalt  }
0x70: {  	_ =	shalt  }
0x71: {  	_ =	shalt  }
0x72: {  	_ =	shalt  }
0x73: {  	_ =	shalt  }
0x74: {  	_ =	shalt  }
0x75: {  	_ =	shalt  }
0x76: {  	_ =	shalt  }
0x77: {  	_ =	shalt  }
0x78: {  	_ =	shalt  }
0x79: {  	_ =	shalt  }
0x7a: {  	_ =	shalt  }
0x7b: {  	_ =	shalt  }
0x7c: {  	_ =	shalt  }
0x7d: {  	_ =	shalt  }
0x7e: {  	_ =	shalt  }
0x7f: {  	_ =	shalt  }
0x80: {  	_ =	shalt  }
0x81: {  	_ =	shalt  }
0x82: {  	_ =	shalt  }
0x83: {  	_ =	shalt  }
0x84: {  	_ =	shalt  }
0x85: {  	_ =	shalt  }
0x86: {  	_ =	shalt  }
0x87: {  	_ =	shalt  }
.Lfunc_end0:
.L_simem_size_0:
called_computation_lowered:
.L_overlay_start_0:
0x88: {  	s2 =	sld [smem:$0x3FD9]  }
0x89: {  	s3 =	sld [smem:$0x3FFE];
	_ =	sdelay $0x1  }
0x8a: {  	s1 =	srdreg.scid  }
0x8b: {  	s0 =	sand.u32 $0x1, s1  }
0x8c: {  	s14 =	sshll.u32 s0, $0xA;
	s2 =	sadd.s32 s3, s2  }
0x8d: {  	s2 =	sadd.s32 s2, s14  }
0x8e: {  	[smem:$0x3FC1] =	sst s2  }
0x8f: {  	_ = 	snop  }
0x90: {  	s2 =	sld [smem:$0x3FD0];
	_ =	sdelay $0x2  }
0x91: {  	s15 =	simm.s32 $0xA;
	s4 =	simm.s32 $0x10  }
0x92: {  	[smem:s4], [sflag:s15] =	dma.local [hbm:s2], $0x1  }
0x93: {  	_ =	swait.eq [sflag:s15], $0x1  }
0x94: {  	[sflag:s15] =	ssyncset.done $0x0  }
0x95: {  	[sflag:s15] =	ssyncadd.s32 $0xFFFFFFFF  }
0x96: {  	s16 =	sld [smem:$0x10];
	(tm) =	ssettm $0x1  }
0x97: {  	s17 =	sld [smem:$0x3FFB];
	_ =	sdelay $0x3  }
0x98: {  	_ =	strace s17  }
0x99: {  	s3 =	sld [smem:$0x3FFC];
	_ =	sdelay $0x3  }
0x9a: {  	_ =	strace s3  }
0x9b: {  	s3 =	sld [smem:$0x3FFD];
	_ =	sdelay $0x3  }
0x9c: {  	_ =	strace s3  }
0x9d: {  	_ =	strace $0x8FFFFFFF  }
0x9e: {  	s18 =	sld [smem:$0x3FDB];
	_ =	sdelay $0x1  }
0x9f: {  	s19 =	simm.s32 $_scs_section_size  }
0xa0: {  	s5 =	simm.s32 $_size__tile_overlayer_lowered;
	s6 =	simm.s32 $_tile_overlayer_lowered  }
0xa1: {  	s22 =	simm.s32 $0x1BFF;
	s21 =	sshll.u32 s6, $0x1;
	s3 =	sadd.s32 s19, s18  }
0xa2: {  	s7 =	simm.s32 $0x0;
	s20 =	sshll.u32 s5, $0x1;
	s5 =	sadd.s32 s21, s3  }
0xa3: {  	[timem:s7], [sflag:s22] =	dma.local [hbm:s5], s20  }
0xa4: {  	_ =	swait.ge [sflag:s22], s20  }
0xa5: {  	s4 =	ssub.s32 $0x0, s20;
	[sflag:s22] =	ssyncset.done $0x0  }
0xa6: {  	[sflag:s22] =	ssyncadd.s32 s4;
	_ =	sdelay $0x1  }
0xa7: {  	s23 =	simm.s32 $0x1B8B  }
0xa8: {  	_ =	swait.ge [sflag:s23], $0x1  }
0xa9: {  	[sflag:s23] =	ssyncset.done $0x0  }
0xaa: {  	s25 =	simm.s32 $0x1B8E;
	s24 =	sld [smem:$0x3FFE];
	[sflag:s23] =	ssyncadd.s32 $0xFFFFFFFF  }
0xab: {  	s26 =	simm.s32 $execute0_lowered;
	[smem:$0x3FD2] =	sst s25  }
0xac: {  	s5 =	sshll.u32 s26, $0x1;
	_ =	strace $0x80000046;
	[dreg:$0x1] =	wrdreg $0xFFFFFFFF  }
0xad: {  	s28 =	simm.s32 $_size_execute0_lowered;
	s3 =	sadd.s32 s3, s5;
	[dreg:$0x0] =	wrdreg $0x0  }
0xae: {  	s5 =	sshll.u32 s28, $0x1;
	[dreg:$0x2] =	wrdreg s3  }
0xaf: {  	[dreg:$0x3] =	wrdreg s5  }
0xb0: {  	[dreg:$0x4] =	wrdreg $0xC0  }
0xb1: {  	_ =	task [dreg:s7], $0x5FFFF  }
0xb2: {  	[dreg:$0x1] =	wrdreg $0xFFFFFFFF  }
0xb3: {  	[dreg:$0x0] =	wrdreg $0x60  }
0xb4: {  	[dreg:$0x2] =	wrdreg s24  }
0xb5: {  	[dreg:$0x3] =	wrdreg s16  }
0xb6: {  	[dreg:$0x4] =	wrdreg $0x9  }
0xb7: {  	_ =	task.clear_ibuf [dreg:s7], $0x5FFFF;
	_ =	strace $0x90000046  }
0xb8: {  	s29 =	simm.s32 $0x9;
	_ =	strace $0x80000048  }
0xb9: {  	_ =	swait.ge [sflag:s29], $0x1  }
0xba: {  	[sflag:s29] =	ssyncadd.s32 $0xFFFFFFFF  }
0xbb: {  	_ =	strace $0x90000048  }
0xbc: {  	_ =	sfence  }
0xbd: {  	s30 =	sld [smem:$0x0];
	_ =	sdelay $0x2  }
0xbe: {  	s31 =	sshll.u32 s1, $0xD;
	s1 =	sshrl.u32 s1, $0x2  }
0xbf: {  	s3 =	sand.u32 $0x4000, s31;
	s1 =	sadd.s32 s1, s30  }
0xc0: {  	s0 =	sor.u32 s3, s0;
	s1 =	sshll.u32 s1, $0x11  }
0xc1: {  	s0 =	sor.u32 s1, s0  }
0xc2: {  	s0 =	sadd.s32 $0x8F2B, s0  }
0xc3: {  	[sflag:s0] =	ssyncadd.remote.s32 $0x1  }
0xc4: {  	_ =	sfence.sel $0xFFFF  }
0xc5: {  	[dreg:$0x0] =	wrdreg $0xFFFFFFFF;
	(pc) =	sbr.abs _section_cstart, $3  }
0xc6: {  	[dreg:$0x1] =	wrdreg $0xFFFFFFFF  }
0xc7: {  	_ =	task.clear_ibuf [dreg:s7], $0x2FFFF;
	_ =	strace $0x9FFFFFFF  }
0xc8: {  	(tm) =	ssettm $0x7FFFFFFF  }
0xc9: {  	_ =	shalt  }
tec
execute0_lowered:
.L_overlay_start_1:
0x0: {  	(tag) =	ssettag $0x1  }
0x1: {  	s1 =	srdreg.scid  }
0x2: {  	s0 =	stileid.u32;
	s6 =	sand.u32 $0x1, s1  }
0x3: {  	s5 =	rddreg [dreg:$0x0];
	s30 =	sshll.u32 s0, $0xB;
	s2 =	sshll.u32 s6, $0xA  }
0x4: {  	s8 =	rddreg [dreg:$0x1];
	s9 =	sor.u32 s2, s30  }
0x5: {  	s1 =	rddreg [dreg:$0x2];
	s2 =	simm.s32 $0x0;
	s3 =	sshrl.u32 s9, $0x3  }
0x6: {  	s10 =	ssub.s32 $0x2, s6;
	[smem:$0x7FF] =	sst s2;
	s3 =	sadd.s32 s3, s5  }
0x7: {  	_ =	strace $0x80000047;
	s4 =	sadd.s32 $0x5400, s3;
	s3 =	simm.s32 $0x2  }
0x8: {  	[tilespmem:s2], [sflag:$0x2] =	stream.linear.gather [hbm4b:s4+s2], $0x400, $0x38;
	[tilespmem:$0x4400] =	vst v63  }
0x9: {  	s7 =	simm.s32 $0x1;
	s11 =	sshrl.u32 s10, $0x1;
	_ =	swait.ge [sflag:s3], $0x400  }
0xa: {  	s6 =	simm.s32 $0x400;
	s10 =	ssub.s32 s10, s11;
	[sflag:s3] =	ssyncset.done $0x0  }
0xb: {  	s5 =	sadd.s32 $0x1400, s5;
	s31 =	smax.u32 s10, $0x1;
	[sflag:s3] =	ssyncadd.s32 $0xFFFFFC00  }
0xc: {  	[tilespmem:s6], [sflag:$0x1] =	stream.indirect.gather [hbm4b:s5+s6], $0x10, s2, s6, $0xb8;
	[tilespmem:$0x4400] =	vst v63  }
0xd: {  	p0 =	sne.s32 s31, $0x1;
	_ =	swait.ge [sflag:s7], $0x4000  }
.Ltmp0:
0xe: {  	s9 =	sshll.u32 s9, $0x1;
	[sflag:s7] =	ssyncset.done $0x0;
	(pc) =	sbr.rel @!p0 .LBB2_2-.Ltmp0, $4  }
0xf: {  	s8 =	sadd.s32 s8, s9;
	[sflag:s7] =	ssyncadd.s32 $0xFFFFC000  }
0x10: {  	[hbm4b:s8+s2] =	stream.linear.scatter [tilespmem:s6], [sflag:$0x2], $0x4000, $0x38;
	[tilespmem:$0x4400] =	vst v63  }
0x11: {  	_ =	swait.ge [sflag:s3], $0x4000  }
0x12: {  	s9 =	sadd.s32 $0xFFFFFFFF, s31;
	[sflag:s3] =	ssyncset.done $0x0  }
.LBB2_1:
0x13: {  	p0 =	sne.s32 s9, $0x1;
	s9 =	sadd.s32 $0xFFFFFFFF, s9;
	[sflag:s3] =	ssyncadd.s32 $0xFFFFC000  }
0x14: {  	[tilespmem:s2], [sflag:$0x2] =	stream.linear.gather [hbm4b:s4+s2], $0x400, $0x38;
	[tilespmem:$0x4400] =	vst v63  }
0x15: {  	_ =	swait.ge [sflag:s3], $0x400  }
0x16: {  	[sflag:s3] =	ssyncset.done $0x0  }
0x17: {  	[sflag:s3] =	ssyncadd.s32 $0xFFFFFC00  }
0x18: {  	[tilespmem:s6], [sflag:$0x1] =	stream.indirect.gather [hbm4b:s5+s6], $0x10, s2, s6, $0xb8;
	[tilespmem:$0x4400] =	vst v63  }
0x19: {  	_ =	swait.ge [sflag:s7], $0x4000  }
.Ltmp1:
0x1a: {  	[sflag:s7] =	ssyncset.done $0x0;
	(pc) =	sbr.rel @p0 .LBB2_1-.Ltmp1, $4  }
0x1b: {  	[sflag:s7] =	ssyncadd.s32 $0xFFFFC000  }
0x1c: {  	[hbm4b:s8+s2] =	stream.linear.scatter [tilespmem:s6], [sflag:$0x2], $0x4000, $0x38;
	[tilespmem:$0x4400] =	vst v63  }
0x1d: {  	_ =	swait.ge [sflag:s3], $0x4000  }
0x1e: {  	[sflag:s3] =	ssyncset.done $0x0  }
.LBB2_2:
0x1f: {  	[sflag:s3] =	ssyncadd.s32 $0xFFFFC000  }
0x20: {  	_ =	sfence.sel $0x180000  }
0x21: {  	[bflag:$0x0] =	sbarrier.arrive $0xFFFF  }
0x22: {  	p0 =	sne.s32 s0, $0x0;
	_ =	strace $0x90000047  }
0x23: {  	s0 =	sadd.s32 @!p0 $0x100000, s1;
	[bflag:$0x2] =	sbarrier.arrive $0xFFFF  }
0x24: {  	[sflag:s0] =	ssyncadd.tile.s32 @!p0 $0x1;
	_ =	shalt  }
.Lfunc_end2:
_tile_overlayer_lowered:
.L_overlay_start_2:
0x25: {  	(tag) =	ssettag $0x2  }
0x26: {  	s0 =	rddreg [dreg:$0x0];
	s2 =	stileid.u32  }
0x27: {  	s1 =	rddreg [dreg:$0x1];
	p0 =	sne.s32 s2, $0x0  }
0x28: {  	s3 =	rddreg [dreg:$0x2];
	[bflag:$0x3] =	sbarrier.arrive $0xFFFF;
	s2 =	simm.s32 @!p0 $0x1C02  }
0x29: {  	[timem:s3], [sflag:s2] =	dma.local @!p0 [hbm:s0], s1  }
0x2a: {  	s0 =	simm.s32 @!p0 $0x2  }
0x2b: {  	_ =	swait.ge @!p0 [sflag:s0], s1  }
0x2c: {  	s1 =	ssub.s32 @!p0 $0x0, s1;
	[sflag:s0] =	ssyncset.done @!p0 $0x0  }
0x2d: {  	[sflag:s0] =	ssyncadd.s32 @!p0 s1  }
0x2e: {  	[bflag:$0x3] =	sbarrier.arrive $0xFFFF  }
0x2f: {  	_ =	shalt  }

</sc_bundles>
